<compile_context>
chip_gen: v7x
topology: tpu7x:2x2x1
jax: 0.10.2.dev20260603
libtpu: 0.0.44.dev20260713+nightly
codegen_flags: <defaults>
</compile_context>

<pallas_src>
import jax
import jax.numpy as jnp
from jax import lax
from jax.experimental import pallas as pl
from jax.experimental.pallas import tpu as pltpu
from jax.experimental.pallas import tpu_sc as plsc

_B = 16384
_F = 26
_NW = 32
_BW = _B // _NW
_K = _F * _BW
_C = 128
_R = _K // _C
_L = 16


_TCH = 62592
_TLAST = 1000000 - 15 * _TCH


def _body(idx_hbm, table_hbm, bias_hbm, out_hbm, idx_v, acc_v, out_v,
          bias_v, table_sh, sem, sem2):
    sid = lax.axis_index("s")
    wid = sid * 2 + lax.axis_index("c")

    pltpu.async_copy(idx_hbm.at[wid], idx_v, sem2)
    pltpu.async_copy(bias_hbm, bias_v, sem2)

    zero = jnp.zeros((_L,), jnp.float32)
    for q in range(4):
        for l in range(0, _C, _L):
            acc_v[q, 0, pl.ds(l, _L)] = zero

    @pl.when(sid < 15)
    def _():
        start = sid * _TCH
        pltpu.sync_copy(
            table_hbm.at[0, pl.ds(start, _TCH)],
            table_sh.at[0, pl.ds(start, _TCH)],
        )

    @pl.when(sid == 15)
    def _():
        pltpu.sync_copy(
            table_hbm.at[0, pl.ds(15 * _TCH, _TLAST)],
            table_sh.at[0, pl.ds(15 * _TCH, _TLAST)],
        )

    plsc.subcore_barrier()

    pltpu.make_async_copy(idx_hbm.at[wid], idx_v, sem2).wait()
    pltpu.make_async_copy(bias_hbm, bias_v, sem2).wait()

    @pl.loop(0, _R // 8)
    def _fire(g):
        base = g * 8
        for u in range(8):
            pltpu.async_copy(
                table_sh.at[idx_v.at[base + u]], acc_v.at[u % 4], sem,
                add=True,
            )

    pltpu.make_async_copy(idx_hbm.at[wid], idx_v, sem).wait()

    bias_vec = bias_v[pl.ds(0, _L)]
    for c in range(_BW // _L):
        q, l = c // 8, _L * (c % 8)
        out_v[pl.ds(_L * c, _L)] = acc_v[q, 0, pl.ds(l, _L)] + bias_vec

    pltpu.sync_copy(out_v, out_hbm.at[0, pl.ds(wid * _BW, _BW)])


@jax.jit
def _fl_kernel(idx_all, table, bias16):
    mesh = plsc.VectorSubcoreMesh(core_axis_name="c", subcore_axis_name="s")
    k = pl.kernel(
        _body,
        out_type=jax.ShapeDtypeStruct((1, _B), jnp.float32),
        mesh=mesh,
        scratch_types=[
            pltpu.VMEM((_R, 1, _C), jnp.int32),
            pltpu.VMEM((4, 1, _C), jnp.float32),
            pltpu.VMEM((_BW,), jnp.float32),
            pltpu.VMEM((_L,), jnp.float32),
            pltpu.VMEM_SHARED((1, 1000000), jnp.float32),
            pltpu.SemaphoreType.DMA,
            pltpu.SemaphoreType.DMA,
        ],
    )
    return k(idx_all, table, bias16)


def kernel(x, fc_weight, bias):
    idx_all = (
        x.astype(jnp.int32)
        .reshape(_NW, _BW, _F)
        .transpose(0, 2, 1)
        .reshape(_NW, _R, 1, _C)
    )
    bias16 = jnp.broadcast_to(bias, (_L,))
    out = _fl_kernel(idx_all, fc_weight.T, bias16)
    return out.reshape(_B, 1)

# --- scband reference (transcript-rebuilt; emitter-appended) ---
"""Pipeline reference for scband-features-linear-4183298146374 (READ-ONLY COPY).

The authoritative reference and input builder live on the scoring server;
editing this copy changes nothing except your own understanding.
"""

import jax, jax.numpy as jnp
import numpy as np

FIELD_DIMS = 1000000
OUTPUT_DIM = 1
BATCH = 16384
NUM_FIELDS = 26

def setup_inputs(seed: int = 0) -> dict:
    key = jax.random.key(seed)
    k1, k2 = jax.random.split(key)
    x = jax.random.randint(k1, (BATCH, NUM_FIELDS), 0, FIELD_DIMS, dtype=jnp.int64 if jax.config.jax_enable_x64 else jnp.int32)
    fc_weight = jax.random.normal(k2, (FIELD_DIMS, OUTPUT_DIM), dtype=jnp.float32) * 0.01
    bias = jnp.zeros((OUTPUT_DIM,), dtype=jnp.float32)
    return {"x": x, "fc_weight": fc_weight, "bias": bias}

def reference(x, fc_weight, bias):
    # Embedding lookup: (B, F) -> (B, F, output_dim)
    emb = jnp.take(fc_weight, x, axis=0)
    # Sum over fields + bias: (B, output_dim)
    return jnp.sum(emb, axis=1) + bias

if __name__ == "__main__":
    import jax
    _d = setup_inputs()
    print(jax.jit(kernel)(*tuple(_d.values())))

</pallas_src>

<mosaic_0001>
#map = affine_map<(d0, d1) -> (0, 0, 0, 0)>
#map1 = affine_map<(d0, d1) -> (0, 0)>
#map2 = affine_map<(d0, d1) -> (0)>
module attributes {stable_mosaic.version = 14 : i64} {
  func.func @_body(%arg0: i32, %arg1: i32, %arg2: memref<32x104x1x128xi32, #tpu.memory_space<hbm>>, %arg3: memref<1x1000000xf32, #tpu.memory_space<hbm>>, %arg4: memref<16xf32, #tpu.memory_space<hbm>>, %arg5: memref<1x16384xf32, #tpu.memory_space<hbm>>, %arg6: memref<104x1x128xi32, #tpu.memory_space<vmem>>, %arg7: memref<4x1x128xf32, #tpu.memory_space<vmem>>, %arg8: memref<512xf32, #tpu.memory_space<vmem>>, %arg9: memref<16xf32, #tpu.memory_space<vmem>>, %arg10: memref<1x1000000xf32, #tpu.memory_space<vmem_shared>>, %arg11: memref<!tpu.dma_semaphore, #tpu.memory_space<semaphore_mem>>, %arg12: memref<!tpu.dma_semaphore, #tpu.memory_space<semaphore_mem>>) attributes {dimension_semantics = [#tpu.dimension_semantics<core_parallel>, #tpu.dimension_semantics<subcore_parallel>], iteration_bounds = array<i64: 2, 16>, scalar_prefetch = 0 : i64, scratch_operands = 7 : i64, tpu.core_type = #tpu.core_type<sc_vector_subcore>, window_params = [{transform_indices = #map}, {transform_indices = #map1}, {transform_indices = #map2}, {transform_indices = #map1}]} {
    %mul3A = arith.constant 2 : i32
    %mul3A_0 = arith.muli %arg1, %mul3A : i32
    %add3A = arith.addi %mul3A_0, %arg0 : i32
    %dma_start3A = arith.constant 0 : i32
    %dma_start3A_1 = arith.constant 0 : i32
    %dma_start3A_2 = arith.constant 0 : i32
    %dma_start3A_3 = tpu.memref_slice %arg2[%add3A, %dma_start3A, %dma_start3A_1, %dma_start3A_2] : memref<32x104x1x128xi32, #tpu.memory_space<hbm>> -> memref<1x104x1x128xi32, #tpu.memory_space<hbm>>
    %dma_start3A_4 = tpu.memref_squeeze %dma_start3A_3 : memref<1x104x1x128xi32, #tpu.memory_space<hbm>> -> memref<104x1x128xi32, #tpu.memory_space<hbm>>
    %dma_start3A_5 = arith.constant 0 : i32
    %dma_start3A_6 = arith.constant 0 : i32
    %dma_start3A_7 = arith.constant 0 : i32
    %dma_start3A_8 = tpu.memref_slice %arg2[%add3A, %dma_start3A_5, %dma_start3A_6, %dma_start3A_7] : memref<32x104x1x128xi32, #tpu.memory_space<hbm>> -> memref<1x104x1x128xi32, #tpu.memory_space<hbm>>
    %dma_start3A_9 = tpu.memref_squeeze %dma_start3A_8 : memref<1x104x1x128xi32, #tpu.memory_space<hbm>> -> memref<104x1x128xi32, #tpu.memory_space<hbm>>
    tpu.enqueue_dma source(%dma_start3A_9 : memref<104x1x128xi32, #tpu.memory_space<hbm>>) target(%arg6 : memref<104x1x128xi32, #tpu.memory_space<vmem>>) target_semaphore(%arg12 : memref<!tpu.dma_semaphore, #tpu.memory_space<semaphore_mem>>)
    tpu.enqueue_dma source(%arg4 : memref<16xf32, #tpu.memory_space<hbm>>) target(%arg9 : memref<16xf32, #tpu.memory_space<vmem>>) target_semaphore(%arg12 : memref<!tpu.dma_semaphore, #tpu.memory_space<semaphore_mem>>)
    %broadcast_in_dim3A = arith.constant 0.000000e+00 : f32
    %broadcast_in_dim3A_10 = vector.broadcast %broadcast_in_dim3A : f32 to vector<16xf32>
    %swap3A = arith.constant 0 : i32
    %swap3A_11 = arith.constant 0 : i32
    %swap3A_12 = arith.index_cast %swap3A : i32 to index
    %swap3A_13 = arith.index_cast %swap3A_11 : i32 to index
    %swap3A_14 = arith.constant 0 : index
    %swap3A_15 = tpu.vector_load %arg7[%swap3A_12, %swap3A_13, %swap3A_14] {strides = array<i32>} : memref<4x1x128xf32, #tpu.memory_space<vmem>>, vector<1x1x16xf32>,
    %swap3A_16 = vector.shape_cast %swap3A_15 : vector<1x1x16xf32> to vector<16xf32>
    %swap3A_17 = vector.shape_cast %broadcast_in_dim3A_10 : vector<16xf32> to vector<1x1x16xf32>
    tpu.vector_store %arg7[%swap3A_12, %swap3A_13, %swap3A_14], %swap3A_17 {strides = array<i32>} : memref<4x1x128xf32, #tpu.memory_space<vmem>>, vector<1x1x16xf32>,
    %swap3A_18 = arith.constant 0 : i32
    %swap3A_19 = arith.constant 0 : i32
    %swap3A_20 = arith.index_cast %swap3A_18 : i32 to index
    %swap3A_21 = arith.index_cast %swap3A_19 : i32 to index
    %swap3A_22 = arith.constant 16 : index
    %swap3A_23 = tpu.vector_load %arg7[%swap3A_20, %swap3A_21, %swap3A_22] {strides = array<i32>} : memref<4x1x128xf32, #tpu.memory_space<vmem>>, vector<1x1x16xf32>,
    %swap3A_24 = vector.shape_cast %swap3A_23 : vector<1x1x16xf32> to vector<16xf32>
    %swap3A_25 = vector.shape_cast %broadcast_in_dim3A_10 : vector<16xf32> to vector<1x1x16xf32>
    tpu.vector_store %arg7[%swap3A_20, %swap3A_21, %swap3A_22], %swap3A_25 {strides = array<i32>} : memref<4x1x128xf32, #tpu.memory_space<vmem>>, vector<1x1x16xf32>,
    %swap3A_26 = arith.constant 0 : i32
    %swap3A_27 = arith.constant 0 : i32
    %swap3A_28 = arith.index_cast %swap3A_26 : i32 to index
    %swap3A_29 = arith.index_cast %swap3A_27 : i32 to index
    %swap3A_30 = arith.constant 32 : index
    %swap3A_31 = tpu.vector_load %arg7[%swap3A_28, %swap3A_29, %swap3A_30] {strides = array<i32>} : memref<4x1x128xf32, #tpu.memory_space<vmem>>, vector<1x1x16xf32>,
    %swap3A_32 = vector.shape_cast %swap3A_31 : vector<1x1x16xf32> to vector<16xf32>
    %swap3A_33 = vector.shape_cast %broadcast_in_dim3A_10 : vector<16xf32> to vector<1x1x16xf32>
    tpu.vector_store %arg7[%swap3A_28, %swap3A_29, %swap3A_30], %swap3A_33 {strides = array<i32>} : memref<4x1x128xf32, #tpu.memory_space<vmem>>, vector<1x1x16xf32>,
    %swap3A_34 = arith.constant 0 : i32
    %swap3A_35 = arith.constant 0 : i32
    %swap3A_36 = arith.index_cast %swap3A_34 : i32 to index
    %swap3A_37 = arith.index_cast %swap3A_35 : i32 to index
    %swap3A_38 = arith.constant 48 : index
    %swap3A_39 = tpu.vector_load %arg7[%swap3A_36, %swap3A_37, %swap3A_38] {strides = array<i32>} : memref<4x1x128xf32, #tpu.memory_space<vmem>>, vector<1x1x16xf32>,
    %swap3A_40 = vector.shape_cast %swap3A_39 : vector<1x1x16xf32> to vector<16xf32>
    %swap3A_41 = vector.shape_cast %broadcast_in_dim3A_10 : vector<16xf32> to vector<1x1x16xf32>
    tpu.vector_store %arg7[%swap3A_36, %swap3A_37, %swap3A_38], %swap3A_41 {strides = array<i32>} : memref<4x1x128xf32, #tpu.memory_space<vmem>>, vector<1x1x16xf32>,
    %swap3A_42 = arith.constant 0 : i32
    %swap3A_43 = arith.constant 0 : i32
    %swap3A_44 = arith.index_cast %swap3A_42 : i32 to index
    %swap3A_45 = arith.index_cast %swap3A_43 : i32 to index
    %swap3A_46 = arith.constant 64 : index
    %swap3A_47 = tpu.vector_load %arg7[%swap3A_44, %swap3A_45, %swap3A_46] {strides = array<i32>} : memref<4x1x128xf32, #tpu.memory_space<vmem>>, vector<1x1x16xf32>,
    %swap3A_48 = vector.shape_cast %swap3A_47 : vector<1x1x16xf32> to vector<16xf32>
    %swap3A_49 = vector.shape_cast %broadcast_in_dim3A_10 : vector<16xf32> to vector<1x1x16xf32>
    tpu.vector_store %arg7[%swap3A_44, %swap3A_45, %swap3A_46], %swap3A_49 {strides = array<i32>} : memref<4x1x128xf32, #tpu.memory_space<vmem>>, vector<1x1x16xf32>,
    %swap3A_50 = arith.constant 0 : i32
    %swap3A_51 = arith.constant 0 : i32
    %swap3A_52 = arith.index_cast %swap3A_50 : i32 to index
    %swap3A_53 = arith.index_cast %swap3A_51 : i32 to index
    %swap3A_54 = arith.constant 80 : index
    %swap3A_55 = tpu.vector_load %arg7[%swap3A_52, %swap3A_53, %swap3A_54] {strides = array<i32>} : memref<4x1x128xf32, #tpu.memory_space<vmem>>, vector<1x1x16xf32>,
    %swap3A_56 = vector.shape_cast %swap3A_55 : vector<1x1x16xf32> to vector<16xf32>
    %swap3A_57 = vector.shape_cast %broadcast_in_dim3A_10 : vector<16xf32> to vector<1x1x16xf32>
    tpu.vector_store %arg7[%swap3A_52, %swap3A_53, %swap3A_54], %swap3A_57 {strides = array<i32>} : memref<4x1x128xf32, #tpu.memory_space<vmem>>, vector<1x1x16xf32>,
    %swap3A_58 = arith.constant 0 : i32
    %swap3A_59 = arith.constant 0 : i32
    %swap3A_60 = arith.index_cast %swap3A_58 : i32 to index
    %swap3A_61 = arith.index_cast %swap3A_59 : i32 to index
    %swap3A_62 = arith.constant 96 : index
    %swap3A_63 = tpu.vector_load %arg7[%swap3A_60, %swap3A_61, %swap3A_62] {strides = array<i32>} : memref<4x1x128xf32, #tpu.memory_space<vmem>>, vector<1x1x16xf32>,
    %swap3A_64 = vector.shape_cast %swap3A_63 : vector<1x1x16xf32> to vector<16xf32>
    %swap3A_65 = vector.shape_cast %broadcast_in_dim3A_10 : vector<16xf32> to vector<1x1x16xf32>
    tpu.vector_store %arg7[%swap3A_60, %swap3A_61, %swap3A_62], %swap3A_65 {strides = array<i32>} : memref<4x1x128xf32, #tpu.memory_space<vmem>>, vector<1x1x16xf32>,
    %swap3A_66 = arith.constant 0 : i32
    %swap3A_67 = arith.constant 0 : i32
    %swap3A_68 = arith.index_cast %swap3A_66 : i32 to index
    %swap3A_69 = arith.index_cast %swap3A_67 : i32 to index
    %swap3A_70 = arith.constant 112 : index
    %swap3A_71 = tpu.vector_load %arg7[%swap3A_68, %swap3A_69, %swap3A_70] {strides = array<i32>} : memref<4x1x128xf32, #tpu.memory_space<vmem>>, vector<1x1x16xf32>,
    %swap3A_72 = vector.shape_cast %swap3A_71 : vector<1x1x16xf32> to vector<16xf32>
    %swap3A_73 = vector.shape_cast %broadcast_in_dim3A_10 : vector<16xf32> to vector<1x1x16xf32>
    tpu.vector_store %arg7[%swap3A_68, %swap3A_69, %swap3A_70], %swap3A_73 {strides = array<i32>} : memref<4x1x128xf32, #tpu.memory_space<vmem>>, vector<1x1x16xf32>,
    %swap3A_74 = arith.constant 1 : i32
    %swap3A_75 = arith.constant 0 : i32
    %swap3A_76 = arith.index_cast %swap3A_74 : i32 to index
    %swap3A_77 = arith.index_cast %swap3A_75 : i32 to index
    %swap3A_78 = arith.constant 0 : index
    %swap3A_79 = tpu.vector_load %arg7[%swap3A_76, %swap3A_77, %swap3A_78] {strides = array<i32>} : memref<4x1x128xf32, #tpu.memory_space<vmem>>, vector<1x1x16xf32>,
    %swap3A_80 = vector.shape_cast %swap3A_79 : vector<1x1x16xf32> to vector<16xf32>
    %swap3A_81 = vector.shape_cast %broadcast_in_dim3A_10 : vector<16xf32> to vector<1x1x16xf32>
    tpu.vector_store %arg7[%swap3A_76, %swap3A_77, %swap3A_78], %swap3A_81 {strides = array<i32>} : memref<4x1x128xf32, #tpu.memory_space<vmem>>, vector<1x1x16xf32>,
    %swap3A_82 = arith.constant 1 : i32
    %swap3A_83 = arith.constant 0 : i32
    %swap3A_84 = arith.index_cast %swap3A_82 : i32 to index
    %swap3A_85 = arith.index_cast %swap3A_83 : i32 to index
    %swap3A_86 = arith.constant 16 : index
    %swap3A_87 = tpu.vector_load %arg7[%swap3A_84, %swap3A_85, %swap3A_86] {strides = array<i32>} : memref<4x1x128xf32, #tpu.memory_space<vmem>>, vector<1x1x16xf32>,
    %swap3A_88 = vector.shape_cast %swap3A_87 : vector<1x1x16xf32> to vector<16xf32>
    %swap3A_89 = vector.shape_cast %broadcast_in_dim3A_10 : vector<16xf32> to vector<1x1x16xf32>
    tpu.vector_store %arg7[%swap3A_84, %swap3A_85, %swap3A_86], %swap3A_89 {strides = array<i32>} : memref<4x1x128xf32, #tpu.memory_space<vmem>>, vector<1x1x16xf32>,
    %swap3A_90 = arith.constant 1 : i32
    %swap3A_91 = arith.constant 0 : i32
    %swap3A_92 = arith.index_cast %swap3A_90 : i32 to index
    %swap3A_93 = arith.index_cast %swap3A_91 : i32 to index
    %swap3A_94 = arith.constant 32 : index
    %swap3A_95 = tpu.vector_load %arg7[%swap3A_92, %swap3A_93, %swap3A_94] {strides = array<i32>} : memref<4x1x128xf32, #tpu.memory_space<vmem>>, vector<1x1x16xf32>,
    %swap3A_96 = vector.shape_cast %swap3A_95 : vector<1x1x16xf32> to vector<16xf32>
    %swap3A_97 = vector.shape_cast %broadcast_in_dim3A_10 : vector<16xf32> to vector<1x1x16xf32>
    tpu.vector_store %arg7[%swap3A_92, %swap3A_93, %swap3A_94], %swap3A_97 {strides = array<i32>} : memref<4x1x128xf32, #tpu.memory_space<vmem>>, vector<1x1x16xf32>,
    %swap3A_98 = arith.constant 1 : i32
    %swap3A_99 = arith.constant 0 : i32
    %swap3A_100 = arith.index_cast %swap3A_98 : i32 to index
    %swap3A_101 = arith.index_cast %swap3A_99 : i32 to index
    %swap3A_102 = arith.constant 48 : index
    %swap3A_103 = tpu.vector_load %arg7[%swap3A_100, %swap3A_101, %swap3A_102] {strides = array<i32>} : memref<4x1x128xf32, #tpu.memory_space<vmem>>, vector<1x1x16xf32>,
    %swap3A_104 = vector.shape_cast %swap3A_103 : vector<1x1x16xf32> to vector<16xf32>
    %swap3A_105 = vector.shape_cast %broadcast_in_dim3A_10 : vector<16xf32> to vector<1x1x16xf32>
    tpu.vector_store %arg7[%swap3A_100, %swap3A_101, %swap3A_102], %swap3A_105 {strides = array<i32>} : memref<4x1x128xf32, #tpu.memory_space<vmem>>, vector<1x1x16xf32>,
    %swap3A_106 = arith.constant 1 : i32
    %swap3A_107 = arith.constant 0 : i32
    %swap3A_108 = arith.index_cast %swap3A_106 : i32 to index
    %swap3A_109 = arith.index_cast %swap3A_107 : i32 to index
    %swap3A_110 = arith.constant 64 : index
    %swap3A_111 = tpu.vector_load %arg7[%swap3A_108, %swap3A_109, %swap3A_110] {strides = array<i32>} : memref<4x1x128xf32, #tpu.memory_space<vmem>>, vector<1x1x16xf32>,
    %swap3A_112 = vector.shape_cast %swap3A_111 : vector<1x1x16xf32> to vector<16xf32>
    %swap3A_113 = vector.shape_cast %broadcast_in_dim3A_10 : vector<16xf32> to vector<1x1x16xf32>
    tpu.vector_store %arg7[%swap3A_108, %swap3A_109, %swap3A_110], %swap3A_113 {strides = array<i32>} : memref<4x1x128xf32, #tpu.memory_space<vmem>>, vector<1x1x16xf32>,
    %swap3A_114 = arith.constant 1 : i32
    %swap3A_115 = arith.constant 0 : i32
    %swap3A_116 = arith.index_cast %swap3A_114 : i32 to index
    %swap3A_117 = arith.index_cast %swap3A_115 : i32 to index
    %swap3A_118 = arith.constant 80 : index
    %swap3A_119 = tpu.vector_load %arg7[%swap3A_116, %swap3A_117, %swap3A_118] {strides = array<i32>} : memref<4x1x128xf32, #tpu.memory_space<vmem>>, vector<1x1x16xf32>,
    %swap3A_120 = vector.shape_cast %swap3A_119 : vector<1x1x16xf32> to vector<16xf32>
    %swap3A_121 = vector.shape_cast %broadcast_in_dim3A_10 : vector<16xf32> to vector<1x1x16xf32>
    tpu.vector_store %arg7[%swap3A_116, %swap3A_117, %swap3A_118], %swap3A_121 {strides = array<i32>} : memref<4x1x128xf32, #tpu.memory_space<vmem>>, vector<1x1x16xf32>,
    %swap3A_122 = arith.constant 1 : i32
    %swap3A_123 = arith.constant 0 : i32
    %swap3A_124 = arith.index_cast %swap3A_122 : i32 to index
    %swap3A_125 = arith.index_cast %swap3A_123 : i32 to index
    %swap3A_126 = arith.constant 96 : index
    %swap3A_127 = tpu.vector_load %arg7[%swap3A_124, %swap3A_125, %swap3A_126] {strides = array<i32>} : memref<4x1x128xf32, #tpu.memory_space<vmem>>, vector<1x1x16xf32>,
    %swap3A_128 = vector.shape_cast %swap3A_127 : vector<1x1x16xf32> to vector<16xf32>
    %swap3A_129 = vector.shape_cast %broadcast_in_dim3A_10 : vector<16xf32> to vector<1x1x16xf32>
    tpu.vector_store %arg7[%swap3A_124, %swap3A_125, %swap3A_126], %swap3A_129 {strides = array<i32>} : memref<4x1x128xf32, #tpu.memory_space<vmem>>, vector<1x1x16xf32>,
    %swap3A_130 = arith.constant 1 : i32
    %swap3A_131 = arith.constant 0 : i32
    %swap3A_132 = arith.index_cast %swap3A_130 : i32 to index
    %swap3A_133 = arith.index_cast %swap3A_131 : i32 to index
    %swap3A_134 = arith.constant 112 : index
    %swap3A_135 = tpu.vector_load %arg7[%swap3A_132, %swap3A_133, %swap3A_134] {strides = array<i32>} : memref<4x1x128xf32, #tpu.memory_space<vmem>>, vector<1x1x16xf32>,
    %swap3A_136 = vector.shape_cast %swap3A_135 : vector<1x1x16xf32> to vector<16xf32>
    %swap3A_137 = vector.shape_cast %broadcast_in_dim3A_10 : vector<16xf32> to vector<1x1x16xf32>
    tpu.vector_store %arg7[%swap3A_132, %swap3A_133, %swap3A_134], %swap3A_137 {strides = array<i32>} : memref<4x1x128xf32, #tpu.memory_space<vmem>>, vector<1x1x16xf32>,
    %swap3A_138 = arith.constant 2 : i32
    %swap3A_139 = arith.constant 0 : i32
    %swap3A_140 = arith.index_cast %swap3A_138 : i32 to index
    %swap3A_141 = arith.index_cast %swap3A_139 : i32 to index
    %swap3A_142 = arith.constant 0 : index
    %swap3A_143 = tpu.vector_load %arg7[%swap3A_140, %swap3A_141, %swap3A_142] {strides = array<i32>} : memref<4x1x128xf32, #tpu.memory_space<vmem>>, vector<1x1x16xf32>,
    %swap3A_144 = vector.shape_cast %swap3A_143 : vector<1x1x16xf32> to vector<16xf32>
    %swap3A_145 = vector.shape_cast %broadcast_in_dim3A_10 : vector<16xf32> to vector<1x1x16xf32>
    tpu.vector_store %arg7[%swap3A_140, %swap3A_141, %swap3A_142], %swap3A_145 {strides = array<i32>} : memref<4x1x128xf32, #tpu.memory_space<vmem>>, vector<1x1x16xf32>,
    %swap3A_146 = arith.constant 2 : i32
    %swap3A_147 = arith.constant 0 : i32
    %swap3A_148 = arith.index_cast %swap3A_146 : i32 to index
    %swap3A_149 = arith.index_cast %swap3A_147 : i32 to index
    %swap3A_150 = arith.constant 16 : index
    %swap3A_151 = tpu.vector_load %arg7[%swap3A_148, %swap3A_149, %swap3A_150] {strides = array<i32>} : memref<4x1x128xf32, #tpu.memory_space<vmem>>, vector<1x1x16xf32>,
    %swap3A_152 = vector.shape_cast %swap3A_151 : vector<1x1x16xf32> to vector<16xf32>
    %swap3A_153 = vector.shape_cast %broadcast_in_dim3A_10 : vector<16xf32> to vector<1x1x16xf32>
    tpu.vector_store %arg7[%swap3A_148, %swap3A_149, %swap3A_150], %swap3A_153 {strides = array<i32>} : memref<4x1x128xf32, #tpu.memory_space<vmem>>, vector<1x1x16xf32>,
    %swap3A_154 = arith.constant 2 : i32
    %swap3A_155 = arith.constant 0 : i32
    %swap3A_156 = arith.index_cast %swap3A_154 : i32 to index
    %swap3A_157 = arith.index_cast %swap3A_155 : i32 to index
    %swap3A_158 = arith.constant 32 : index
    %swap3A_159 = tpu.vector_load %arg7[%swap3A_156, %swap3A_157, %swap3A_158] {strides = array<i32>} : memref<4x1x128xf32, #tpu.memory_space<vmem>>, vector<1x1x16xf32>,
    %swap3A_160 = vector.shape_cast %swap3A_159 : vector<1x1x16xf32> to vector<16xf32>
    %swap3A_161 = vector.shape_cast %broadcast_in_dim3A_10 : vector<16xf32> to vector<1x1x16xf32>
    tpu.vector_store %arg7[%swap3A_156, %swap3A_157, %swap3A_158], %swap3A_161 {strides = array<i32>} : memref<4x1x128xf32, #tpu.memory_space<vmem>>, vector<1x1x16xf32>,
    %swap3A_162 = arith.constant 2 : i32
    %swap3A_163 = arith.constant 0 : i32
    %swap3A_164 = arith.index_cast %swap3A_162 : i32 to index
    %swap3A_165 = arith.index_cast %swap3A_163 : i32 to index
    %swap3A_166 = arith.constant 48 : index
    %swap3A_167 = tpu.vector_load %arg7[%swap3A_164, %swap3A_165, %swap3A_166] {strides = array<i32>} : memref<4x1x128xf32, #tpu.memory_space<vmem>>, vector<1x1x16xf32>,
    %swap3A_168 = vector.shape_cast %swap3A_167 : vector<1x1x16xf32> to vector<16xf32>
    %swap3A_169 = vector.shape_cast %broadcast_in_dim3A_10 : vector<16xf32> to vector<1x1x16xf32>
    tpu.vector_store %arg7[%swap3A_164, %swap3A_165, %swap3A_166], %swap3A_169 {strides = array<i32>} : memref<4x1x128xf32, #tpu.memory_space<vmem>>, vector<1x1x16xf32>,
    %swap3A_170 = arith.constant 2 : i32
    %swap3A_171 = arith.constant 0 : i32
    %swap3A_172 = arith.index_cast %swap3A_170 : i32 to index
    %swap3A_173 = arith.index_cast %swap3A_171 : i32 to index
    %swap3A_174 = arith.constant 64 : index
    %swap3A_175 = tpu.vector_load %arg7[%swap3A_172, %swap3A_173, %swap3A_174] {strides = array<i32>} : memref<4x1x128xf32, #tpu.memory_space<vmem>>, vector<1x1x16xf32>,
    %swap3A_176 = vector.shape_cast %swap3A_175 : vector<1x1x16xf32> to vector<16xf32>
    %swap3A_177 = vector.shape_cast %broadcast_in_dim3A_10 : vector<16xf32> to vector<1x1x16xf32>
    tpu.vector_store %arg7[%swap3A_172, %swap3A_173, %swap3A_174], %swap3A_177 {strides = array<i32>} : memref<4x1x128xf32, #tpu.memory_space<vmem>>, vector<1x1x16xf32>,
    %swap3A_178 = arith.constant 2 : i32
    %swap3A_179 = arith.constant 0 : i32
    %swap3A_180 = arith.index_cast %swap3A_178 : i32 to index
    %swap3A_181 = arith.index_cast %swap3A_179 : i32 to index
    %swap3A_182 = arith.constant 80 : index
    %swap3A_183 = tpu.vector_load %arg7[%swap3A_180, %swap3A_181, %swap3A_182] {strides = array<i32>} : memref<4x1x128xf32, #tpu.memory_space<vmem>>, vector<1x1x16xf32>,
    %swap3A_184 = vector.shape_cast %swap3A_183 : vector<1x1x16xf32> to vector<16xf32>
    %swap3A_185 = vector.shape_cast %broadcast_in_dim3A_10 : vector<16xf32> to vector<1x1x16xf32>
    tpu.vector_store %arg7[%swap3A_180, %swap3A_181, %swap3A_182], %swap3A_185 {strides = array<i32>} : memref<4x1x128xf32, #tpu.memory_space<vmem>>, vector<1x1x16xf32>,
    %swap3A_186 = arith.constant 2 : i32
    %swap3A_187 = arith.constant 0 : i32
    %swap3A_188 = arith.index_cast %swap3A_186 : i32 to index
    %swap3A_189 = arith.index_cast %swap3A_187 : i32 to index
    %swap3A_190 = arith.constant 96 : index
    %swap3A_191 = tpu.vector_load %arg7[%swap3A_188, %swap3A_189, %swap3A_190] {strides = array<i32>} : memref<4x1x128xf32, #tpu.memory_space<vmem>>, vector<1x1x16xf32>,
    %swap3A_192 = vector.shape_cast %swap3A_191 : vector<1x1x16xf32> to vector<16xf32>
    %swap3A_193 = vector.shape_cast %broadcast_in_dim3A_10 : vector<16xf32> to vector<1x1x16xf32>
    tpu.vector_store %arg7[%swap3A_188, %swap3A_189, %swap3A_190], %swap3A_193 {strides = array<i32>} : memref<4x1x128xf32, #tpu.memory_space<vmem>>, vector<1x1x16xf32>,
    %swap3A_194 = arith.constant 2 : i32
    %swap3A_195 = arith.constant 0 : i32
    %swap3A_196 = arith.index_cast %swap3A_194 : i32 to index
    %swap3A_197 = arith.index_cast %swap3A_195 : i32 to index
    %swap3A_198 = arith.constant 112 : index
    %swap3A_199 = tpu.vector_load %arg7[%swap3A_196, %swap3A_197, %swap3A_198] {strides = array<i32>} : memref<4x1x128xf32, #tpu.memory_space<vmem>>, vector<1x1x16xf32>,
    %swap3A_200 = vector.shape_cast %swap3A_199 : vector<1x1x16xf32> to vector<16xf32>
    %swap3A_201 = vector.shape_cast %broadcast_in_dim3A_10 : vector<16xf32> to vector<1x1x16xf32>
    tpu.vector_store %arg7[%swap3A_196, %swap3A_197, %swap3A_198], %swap3A_201 {strides = array<i32>} : memref<4x1x128xf32, #tpu.memory_space<vmem>>, vector<1x1x16xf32>,
    %swap3A_202 = arith.constant 3 : i32
    %swap3A_203 = arith.constant 0 : i32
    %swap3A_204 = arith.index_cast %swap3A_202 : i32 to index
    %swap3A_205 = arith.index_cast %swap3A_203 : i32 to index
    %swap3A_206 = arith.constant 0 : index
    %swap3A_207 = tpu.vector_load %arg7[%swap3A_204, %swap3A_205, %swap3A_206] {strides = array<i32>} : memref<4x1x128xf32, #tpu.memory_space<vmem>>, vector<1x1x16xf32>,
    %swap3A_208 = vector.shape_cast %swap3A_207 : vector<1x1x16xf32> to vector<16xf32>
    %swap3A_209 = vector.shape_cast %broadcast_in_dim3A_10 : vector<16xf32> to vector<1x1x16xf32>
    tpu.vector_store %arg7[%swap3A_204, %swap3A_205, %swap3A_206], %swap3A_209 {strides = array<i32>} : memref<4x1x128xf32, #tpu.memory_space<vmem>>, vector<1x1x16xf32>,
    %swap3A_210 = arith.constant 3 : i32
    %swap3A_211 = arith.constant 0 : i32
    %swap3A_212 = arith.index_cast %swap3A_210 : i32 to index
    %swap3A_213 = arith.index_cast %swap3A_211 : i32 to index
    %swap3A_214 = arith.constant 16 : index
    %swap3A_215 = tpu.vector_load %arg7[%swap3A_212, %swap3A_213, %swap3A_214] {strides = array<i32>} : memref<4x1x128xf32, #tpu.memory_space<vmem>>, vector<1x1x16xf32>,
    %swap3A_216 = vector.shape_cast %swap3A_215 : vector<1x1x16xf32> to vector<16xf32>
    %swap3A_217 = vector.shape_cast %broadcast_in_dim3A_10 : vector<16xf32> to vector<1x1x16xf32>
    tpu.vector_store %arg7[%swap3A_212, %swap3A_213, %swap3A_214], %swap3A_217 {strides = array<i32>} : memref<4x1x128xf32, #tpu.memory_space<vmem>>, vector<1x1x16xf32>,
    %swap3A_218 = arith.constant 3 : i32
    %swap3A_219 = arith.constant 0 : i32
    %swap3A_220 = arith.index_cast %swap3A_218 : i32 to index
    %swap3A_221 = arith.index_cast %swap3A_219 : i32 to index
    %swap3A_222 = arith.constant 32 : index
    %swap3A_223 = tpu.vector_load %arg7[%swap3A_220, %swap3A_221, %swap3A_222] {strides = array<i32>} : memref<4x1x128xf32, #tpu.memory_space<vmem>>, vector<1x1x16xf32>,
    %swap3A_224 = vector.shape_cast %swap3A_223 : vector<1x1x16xf32> to vector<16xf32>
    %swap3A_225 = vector.shape_cast %broadcast_in_dim3A_10 : vector<16xf32> to vector<1x1x16xf32>
    tpu.vector_store %arg7[%swap3A_220, %swap3A_221, %swap3A_222], %swap3A_225 {strides = array<i32>} : memref<4x1x128xf32, #tpu.memory_space<vmem>>, vector<1x1x16xf32>,
    %swap3A_226 = arith.constant 3 : i32
    %swap3A_227 = arith.constant 0 : i32
    %swap3A_228 = arith.index_cast %swap3A_226 : i32 to index
    %swap3A_229 = arith.index_cast %swap3A_227 : i32 to index
    %swap3A_230 = arith.constant 48 : index
    %swap3A_231 = tpu.vector_load %arg7[%swap3A_228, %swap3A_229, %swap3A_230] {strides = array<i32>} : memref<4x1x128xf32, #tpu.memory_space<vmem>>, vector<1x1x16xf32>,
    %swap3A_232 = vector.shape_cast %swap3A_231 : vector<1x1x16xf32> to vector<16xf32>
    %swap3A_233 = vector.shape_cast %broadcast_in_dim3A_10 : vector<16xf32> to vector<1x1x16xf32>
    tpu.vector_store %arg7[%swap3A_228, %swap3A_229, %swap3A_230], %swap3A_233 {strides = array<i32>} : memref<4x1x128xf32, #tpu.memory_space<vmem>>, vector<1x1x16xf32>,
    %swap3A_234 = arith.constant 3 : i32
    %swap3A_235 = arith.constant 0 : i32
    %swap3A_236 = arith.index_cast %swap3A_234 : i32 to index
    %swap3A_237 = arith.index_cast %swap3A_235 : i32 to index
    %swap3A_238 = arith.constant 64 : index
    %swap3A_239 = tpu.vector_load %arg7[%swap3A_236, %swap3A_237, %swap3A_238] {strides = array<i32>} : memref<4x1x128xf32, #tpu.memory_space<vmem>>, vector<1x1x16xf32>,
    %swap3A_240 = vector.shape_cast %swap3A_239 : vector<1x1x16xf32> to vector<16xf32>
    %swap3A_241 = vector.shape_cast %broadcast_in_dim3A_10 : vector<16xf32> to vector<1x1x16xf32>
    tpu.vector_store %arg7[%swap3A_236, %swap3A_237, %swap3A_238], %swap3A_241 {strides = array<i32>} : memref<4x1x128xf32, #tpu.memory_space<vmem>>, vector<1x1x16xf32>,
    %swap3A_242 = arith.constant 3 : i32
    %swap3A_243 = arith.constant 0 : i32
    %swap3A_244 = arith.index_cast %swap3A_242 : i32 to index
    %swap3A_245 = arith.index_cast %swap3A_243 : i32 to index
    %swap3A_246 = arith.constant 80 : index
    %swap3A_247 = tpu.vector_load %arg7[%swap3A_244, %swap3A_245, %swap3A_246] {strides = array<i32>} : memref<4x1x128xf32, #tpu.memory_space<vmem>>, vector<1x1x16xf32>,
    %swap3A_248 = vector.shape_cast %swap3A_247 : vector<1x1x16xf32> to vector<16xf32>
    %swap3A_249 = vector.shape_cast %broadcast_in_dim3A_10 : vector<16xf32> to vector<1x1x16xf32>
    tpu.vector_store %arg7[%swap3A_244, %swap3A_245, %swap3A_246], %swap3A_249 {strides = array<i32>} : memref<4x1x128xf32, #tpu.memory_space<vmem>>, vector<1x1x16xf32>,
    %swap3A_250 = arith.constant 3 : i32
    %swap3A_251 = arith.constant 0 : i32
    %swap3A_252 = arith.index_cast %swap3A_250 : i32 to index
    %swap3A_253 = arith.index_cast %swap3A_251 : i32 to index
    %swap3A_254 = arith.constant 96 : index
    %swap3A_255 = tpu.vector_load %arg7[%swap3A_252, %swap3A_253, %swap3A_254] {strides = array<i32>} : memref<4x1x128xf32, #tpu.memory_space<vmem>>, vector<1x1x16xf32>,
    %swap3A_256 = vector.shape_cast %swap3A_255 : vector<1x1x16xf32> to vector<16xf32>
    %swap3A_257 = vector.shape_cast %broadcast_in_dim3A_10 : vector<16xf32> to vector<1x1x16xf32>
    tpu.vector_store %arg7[%swap3A_252, %swap3A_253, %swap3A_254], %swap3A_257 {strides = array<i32>} : memref<4x1x128xf32, #tpu.memory_space<vmem>>, vector<1x1x16xf32>,
    %swap3A_258 = arith.constant 3 : i32
    %swap3A_259 = arith.constant 0 : i32
    %swap3A_260 = arith.index_cast %swap3A_258 : i32 to index
    %swap3A_261 = arith.index_cast %swap3A_259 : i32 to index
    %swap3A_262 = arith.constant 112 : index
    %swap3A_263 = tpu.vector_load %arg7[%swap3A_260, %swap3A_261, %swap3A_262] {strides = array<i32>} : memref<4x1x128xf32, #tpu.memory_space<vmem>>, vector<1x1x16xf32>,
    %swap3A_264 = vector.shape_cast %swap3A_263 : vector<1x1x16xf32> to vector<16xf32>
    %swap3A_265 = vector.shape_cast %broadcast_in_dim3A_10 : vector<16xf32> to vector<1x1x16xf32>
    tpu.vector_store %arg7[%swap3A_260, %swap3A_261, %swap3A_262], %swap3A_265 {strides = array<i32>} : memref<4x1x128xf32, #tpu.memory_space<vmem>>, vector<1x1x16xf32>,
    %lt3A = arith.constant 15 : i32
    %lt3A_266 = arith.cmpi slt, %arg1, %lt3A : i32
    %convert_element_type3A = arith.extui %lt3A_266 : i1 to i32
    %cond3A = arith.constant 0 : i32
    %cond3A_267 = arith.cmpi ne, %convert_element_type3A, %cond3A : i32
    scf.if %cond3A_267 {
      %mul3A_683 = arith.constant 62592 : i32
      %mul3A_684 = arith.muli %arg1, %mul3A_683 : i32
      %run_scoped3A_685 = arith.constant 0 : i32
      %run_scoped3A_686 = arith.constant 0 : i32
      "tpu.region"() ({
        %run_scoped3A_687 = tpu.sem_alloc : memref<!tpu.dma_semaphore, #tpu.memory_space<semaphore_mem>>
        %dma_start3A_688 = tpu.memref_slice %arg10[%run_scoped3A_686, %mul3A_684] : memref<1x1000000xf32, #tpu.memory_space<vmem_shared>> -> memref<1x62592xf32, #tpu.memory_space<vmem_shared>>
        %dma_start3A_689 = tpu.memref_squeeze %dma_start3A_688 : memref<1x62592xf32, #tpu.memory_space<vmem_shared>> -> memref<62592xf32, #tpu.memory_space<vmem_shared>>
        %dma_start3A_690 = tpu.memref_slice %arg3[%run_scoped3A_685, %mul3A_684] : memref<1x1000000xf32, #tpu.memory_space<hbm>> -> memref<1x62592xf32, #tpu.memory_space<hbm>>
        %dma_start3A_691 = tpu.memref_squeeze %dma_start3A_690 : memref<1x62592xf32, #tpu.memory_space<hbm>> -> memref<62592xf32, #tpu.memory_space<hbm>>
        tpu.enqueue_dma source(%dma_start3A_691 : memref<62592xf32, #tpu.memory_space<hbm>>) target(%dma_start3A_689 : memref<62592xf32, #tpu.memory_space<vmem_shared>>) target_semaphore(%run_scoped3A_687 : memref<!tpu.dma_semaphore, #tpu.memory_space<semaphore_mem>>)
        %dma_wait3A_692 = tpu.memref_slice %arg10[%run_scoped3A_686, %mul3A_684] : memref<1x1000000xf32, #tpu.memory_space<vmem_shared>> -> memref<1x62592xf32, #tpu.memory_space<vmem_shared>>
        %dma_wait3A_693 = tpu.memref_squeeze %dma_wait3A_692 : memref<1x62592xf32, #tpu.memory_space<vmem_shared>> -> memref<62592xf32, #tpu.memory_space<vmem_shared>>
        %dma_wait3A_694 = tpu.memref_slice %arg3[%run_scoped3A_685, %mul3A_684] : memref<1x1000000xf32, #tpu.memory_space<hbm>> -> memref<1x62592xf32, #tpu.memory_space<hbm>>
        %dma_wait3A_695 = tpu.memref_squeeze %dma_wait3A_694 : memref<1x62592xf32, #tpu.memory_space<hbm>> -> memref<62592xf32, #tpu.memory_space<hbm>>
        tpu.wait_dma2 semaphore(%run_scoped3A_687 : memref<!tpu.dma_semaphore, #tpu.memory_space<semaphore_mem>>) src(%dma_wait3A_695 : memref<62592xf32, #tpu.memory_space<hbm>>) dst(%dma_wait3A_693 : memref<62592xf32, #tpu.memory_space<vmem_shared>>)
        tpu.yield
      }) : () -> ()
    } else {
    }
    %eq3A = arith.constant 15 : i32
    %eq3A_268 = arith.cmpi eq, %arg1, %eq3A : i32
    %convert_element_type3A_269 = arith.extui %eq3A_268 : i1 to i32
    %cond3A_270 = arith.constant 0 : i32
    %cond3A_271 = arith.cmpi ne, %convert_element_type3A_269, %cond3A_270 : i32
    scf.if %cond3A_271 {
      %run_scoped3A_683 = arith.constant 0 : i32
      %run_scoped3A_684 = arith.constant 0 : i32
      "tpu.region"() ({
        %run_scoped3A_685 = tpu.sem_alloc : memref<!tpu.dma_semaphore, #tpu.memory_space<semaphore_mem>>
        %dma_start3A_686 = arith.constant 938880 : i32
        %dma_start3A_687 = tpu.memref_slice %arg10[%run_scoped3A_684, %dma_start3A_686] : memref<1x1000000xf32, #tpu.memory_space<vmem_shared>> -> memref<1x61120xf32, #tpu.memory_space<vmem_shared>>
        %dma_start3A_688 = tpu.memref_squeeze %dma_start3A_687 : memref<1x61120xf32, #tpu.memory_space<vmem_shared>> -> memref<61120xf32, #tpu.memory_space<vmem_shared>>
        %dma_start3A_689 = arith.constant 938880 : i32
        %dma_start3A_690 = tpu.memref_slice %arg3[%run_scoped3A_683, %dma_start3A_689] : memref<1x1000000xf32, #tpu.memory_space<hbm>> -> memref<1x61120xf32, #tpu.memory_space<hbm>>
        %dma_start3A_691 = tpu.memref_squeeze %dma_start3A_690 : memref<1x61120xf32, #tpu.memory_space<hbm>> -> memref<61120xf32, #tpu.memory_space<hbm>>
        tpu.enqueue_dma source(%dma_start3A_691 : memref<61120xf32, #tpu.memory_space<hbm>>) target(%dma_start3A_688 : memref<61120xf32, #tpu.memory_space<vmem_shared>>) target_semaphore(%run_scoped3A_685 : memref<!tpu.dma_semaphore, #tpu.memory_space<semaphore_mem>>)
        %dma_wait3A_692 = arith.constant 938880 : i32
        %dma_wait3A_693 = tpu.memref_slice %arg10[%run_scoped3A_684, %dma_wait3A_692] : memref<1x1000000xf32, #tpu.memory_space<vmem_shared>> -> memref<1x61120xf32, #tpu.memory_space<vmem_shared>>
        %dma_wait3A_694 = tpu.memref_squeeze %dma_wait3A_693 : memref<1x61120xf32, #tpu.memory_space<vmem_shared>> -> memref<61120xf32, #tpu.memory_space<vmem_shared>>
        %dma_wait3A_695 = arith.constant 938880 : i32
        %dma_wait3A_696 = tpu.memref_slice %arg3[%run_scoped3A_683, %dma_wait3A_695] : memref<1x1000000xf32, #tpu.memory_space<hbm>> -> memref<1x61120xf32, #tpu.memory_space<hbm>>
        %dma_wait3A_697 = tpu.memref_squeeze %dma_wait3A_696 : memref<1x61120xf32, #tpu.memory_space<hbm>> -> memref<61120xf32, #tpu.memory_space<hbm>>
        tpu.wait_dma2 semaphore(%run_scoped3A_685 : memref<!tpu.dma_semaphore, #tpu.memory_space<semaphore_mem>>) src(%dma_wait3A_697 : memref<61120xf32, #tpu.memory_space<hbm>>) dst(%dma_wait3A_694 : memref<61120xf32, #tpu.memory_space<vmem_shared>>)
        tpu.yield
      }) : () -> ()
    } else {
    }
    %barrier3A = arith.constant 0 : index
    tpu.barrier barrier_id(%barrier3A)
    %dma_wait3A = arith.constant 0 : i32
    %dma_wait3A_272 = arith.constant 0 : i32
    %dma_wait3A_273 = arith.constant 0 : i32
    %dma_wait3A_274 = tpu.memref_slice %arg2[%add3A, %dma_wait3A, %dma_wait3A_272, %dma_wait3A_273] : memref<32x104x1x128xi32, #tpu.memory_space<hbm>> -> memref<1x104x1x128xi32, #tpu.memory_space<hbm>>
    %dma_wait3A_275 = tpu.memref_squeeze %dma_wait3A_274 : memref<1x104x1x128xi32, #tpu.memory_space<hbm>> -> memref<104x1x128xi32, #tpu.memory_space<hbm>>
    %dma_wait3A_276 = arith.constant 0 : i32
    %dma_wait3A_277 = arith.constant 0 : i32
    %dma_wait3A_278 = arith.constant 0 : i32
    %dma_wait3A_279 = tpu.memref_slice %arg2[%add3A, %dma_wait3A_276, %dma_wait3A_277, %dma_wait3A_278] : memref<32x104x1x128xi32, #tpu.memory_space<hbm>> -> memref<1x104x1x128xi32, #tpu.memory_space<hbm>>
    %dma_wait3A_280 = tpu.memref_squeeze %dma_wait3A_279 : memref<1x104x1x128xi32, #tpu.memory_space<hbm>> -> memref<104x1x128xi32, #tpu.memory_space<hbm>>
    tpu.wait_dma2 semaphore(%arg12 : memref<!tpu.dma_semaphore, #tpu.memory_space<semaphore_mem>>) src(%dma_wait3A_280 : memref<104x1x128xi32, #tpu.memory_space<hbm>>) dst(%arg6 : memref<104x1x128xi32, #tpu.memory_space<vmem>>)
    tpu.wait_dma2 semaphore(%arg12 : memref<!tpu.dma_semaphore, #tpu.memory_space<semaphore_mem>>) src(%arg4 : memref<16xf32, #tpu.memory_space<hbm>>) dst(%arg9 : memref<16xf32, #tpu.memory_space<vmem>>)
    %scan3A = arith.constant 0 : i32
    %scan3A_281 = arith.constant 13 : i32
    %scan3A_282 = arith.addi %scan3A, %scan3A_281 : i32
    %scan3A_283 = arith.constant 1 : i32
    scf.for %scan3A_683 = %scan3A to %scan3A_282 step %scan3A_283  : i32 {
      %mul3A_684 = arith.constant 1 : i32
      %mul3A_685 = arith.muli %scan3A_683, %mul3A_684 : i32
      %add3A_686 = arith.constant 0 : i32
      %add3A_687 = arith.addi %add3A_686, %mul3A_685 : i32
      %mul3A_688 = arith.constant 8 : i32
      %mul3A_689 = arith.muli %add3A_687, %mul3A_688 : i32
      %add3A_690 = arith.constant 0 : i32
      %add3A_691 = arith.addi %mul3A_689, %add3A_690 : i32
      %dma_start3A_692 = arith.constant 0 : i32
      %dma_start3A_693 = arith.constant 0 : i32
      %dma_start3A_694 = arith.constant 0 : i32
      %dma_start3A_695 = tpu.memref_slice %arg7[%dma_start3A_692, %dma_start3A_693, %dma_start3A_694] : memref<4x1x128xf32, #tpu.memory_space<vmem>> -> memref<1x1x128xf32, #tpu.memory_space<vmem>>
      %dma_start3A_696 = tpu.memref_squeeze %dma_start3A_695 : memref<1x1x128xf32, #tpu.memory_space<vmem>> -> memref<1x128xf32, #tpu.memory_space<vmem>>
      %dma_start3A_697 = arith.constant 0 : i32
      %dma_start3A_698 = arith.constant 0 : i32
      %dma_start3A_699 = tpu.memref_slice %arg6[%add3A_691, %dma_start3A_697, %dma_start3A_698] : memref<104x1x128xi32, #tpu.memory_space<vmem>> -> memref<1x1x128xi32, #tpu.memory_space<vmem>>
      %dma_start3A_700 = tpu.memref_squeeze %dma_start3A_699 : memref<1x1x128xi32, #tpu.memory_space<vmem>> -> memref<1x128xi32, #tpu.memory_space<vmem>>
      %dma_start3A_701 = arith.constant 0 : i32
      %dma_start3A_702 = arith.constant 0 : i32
      %dma_start3A_703 = tpu.memref_slice %arg10[%dma_start3A_701, %dma_start3A_702] : memref<1x1000000xf32, #tpu.memory_space<vmem_shared>> -> memref<1x1000000xf32, #tpu.memory_space<vmem_shared>>
      tpu.enqueue_indirect_dma source(%dma_start3A_703 : memref<1x1000000xf32, #tpu.memory_space<vmem_shared>>) target(%dma_start3A_696 : memref<1x128xf32, #tpu.memory_space<vmem>>) offsets(%dma_start3A_700 : memref<1x128xi32, #tpu.memory_space<vmem>>) semaphore(%arg11 : memref<!tpu.dma_semaphore, #tpu.memory_space<semaphore_mem>>) {add = true}
      %add3A_704 = arith.constant 1 : i32
      %add3A_705 = arith.addi %mul3A_689, %add3A_704 : i32
      %dma_start3A_706 = arith.constant 1 : i32
      %dma_start3A_707 = arith.constant 0 : i32
      %dma_start3A_708 = arith.constant 0 : i32
      %dma_start3A_709 = tpu.memref_slice %arg7[%dma_start3A_706, %dma_start3A_707, %dma_start3A_708] : memref<4x1x128xf32, #tpu.memory_space<vmem>> -> memref<1x1x128xf32, #tpu.memory_space<vmem>>
      %dma_start3A_710 = tpu.memref_squeeze %dma_start3A_709 : memref<1x1x128xf32, #tpu.memory_space<vmem>> -> memref<1x128xf32, #tpu.memory_space<vmem>>
      %dma_start3A_711 = arith.constant 0 : i32
      %dma_start3A_712 = arith.constant 0 : i32
      %dma_start3A_713 = tpu.memref_slice %arg6[%add3A_705, %dma_start3A_711, %dma_start3A_712] : memref<104x1x128xi32, #tpu.memory_space<vmem>> -> memref<1x1x128xi32, #tpu.memory_space<vmem>>
      %dma_start3A_714 = tpu.memref_squeeze %dma_start3A_713 : memref<1x1x128xi32, #tpu.memory_space<vmem>> -> memref<1x128xi32, #tpu.memory_space<vmem>>
      %dma_start3A_715 = arith.constant 0 : i32
      %dma_start3A_716 = arith.constant 0 : i32
      %dma_start3A_717 = tpu.memref_slice %arg10[%dma_start3A_715, %dma_start3A_716] : memref<1x1000000xf32, #tpu.memory_space<vmem_shared>> -> memref<1x1000000xf32, #tpu.memory_space<vmem_shared>>
      tpu.enqueue_indirect_dma source(%dma_start3A_717 : memref<1x1000000xf32, #tpu.memory_space<vmem_shared>>) target(%dma_start3A_710 : memref<1x128xf32, #tpu.memory_space<vmem>>) offsets(%dma_start3A_714 : memref<1x128xi32, #tpu.memory_space<vmem>>) semaphore(%arg11 : memref<!tpu.dma_semaphore, #tpu.memory_space<semaphore_mem>>) {add = true}
      %add3A_718 = arith.constant 2 : i32
      %add3A_719 = arith.addi %mul3A_689, %add3A_718 : i32
      %dma_start3A_720 = arith.constant 2 : i32
      %dma_start3A_721 = arith.constant 0 : i32
      %dma_start3A_722 = arith.constant 0 : i32
      %dma_start3A_723 = tpu.memref_slice %arg7[%dma_start3A_720, %dma_start3A_721, %dma_start3A_722] : memref<4x1x128xf32, #tpu.memory_space<vmem>> -> memref<1x1x128xf32, #tpu.memory_space<vmem>>
      %dma_start3A_724 = tpu.memref_squeeze %dma_start3A_723 : memref<1x1x128xf32, #tpu.memory_space<vmem>> -> memref<1x128xf32, #tpu.memory_space<vmem>>
      %dma_start3A_725 = arith.constant 0 : i32
      %dma_start3A_726 = arith.constant 0 : i32
      %dma_start3A_727 = tpu.memref_slice %arg6[%add3A_719, %dma_start3A_725, %dma_start3A_726] : memref<104x1x128xi32, #tpu.memory_space<vmem>> -> memref<1x1x128xi32, #tpu.memory_space<vmem>>
      %dma_start3A_728 = tpu.memref_squeeze %dma_start3A_727 : memref<1x1x128xi32, #tpu.memory_space<vmem>> -> memref<1x128xi32, #tpu.memory_space<vmem>>
      %dma_start3A_729 = arith.constant 0 : i32
      %dma_start3A_730 = arith.constant 0 : i32
      %dma_start3A_731 = tpu.memref_slice %arg10[%dma_start3A_729, %dma_start3A_730] : memref<1x1000000xf32, #tpu.memory_space<vmem_shared>> -> memref<1x1000000xf32, #tpu.memory_space<vmem_shared>>
      tpu.enqueue_indirect_dma source(%dma_start3A_731 : memref<1x1000000xf32, #tpu.memory_space<vmem_shared>>) target(%dma_start3A_724 : memref<1x128xf32, #tpu.memory_space<vmem>>) offsets(%dma_start3A_728 : memref<1x128xi32, #tpu.memory_space<vmem>>) semaphore(%arg11 : memref<!tpu.dma_semaphore, #tpu.memory_space<semaphore_mem>>) {add = true}
      %add3A_732 = arith.constant 3 : i32
      %add3A_733 = arith.addi %mul3A_689, %add3A_732 : i32
      %dma_start3A_734 = arith.constant 3 : i32
      %dma_start3A_735 = arith.constant 0 : i32
      %dma_start3A_736 = arith.constant 0 : i32
      %dma_start3A_737 = tpu.memref_slice %arg7[%dma_start3A_734, %dma_start3A_735, %dma_start3A_736] : memref<4x1x128xf32, #tpu.memory_space<vmem>> -> memref<1x1x128xf32, #tpu.memory_space<vmem>>
      %dma_start3A_738 = tpu.memref_squeeze %dma_start3A_737 : memref<1x1x128xf32, #tpu.memory_space<vmem>> -> memref<1x128xf32, #tpu.memory_space<vmem>>
      %dma_start3A_739 = arith.constant 0 : i32
      %dma_start3A_740 = arith.constant 0 : i32
      %dma_start3A_741 = tpu.memref_slice %arg6[%add3A_733, %dma_start3A_739, %dma_start3A_740] : memref<104x1x128xi32, #tpu.memory_space<vmem>> -> memref<1x1x128xi32, #tpu.memory_space<vmem>>
      %dma_start3A_742 = tpu.memref_squeeze %dma_start3A_741 : memref<1x1x128xi32, #tpu.memory_space<vmem>> -> memref<1x128xi32, #tpu.memory_space<vmem>>
      %dma_start3A_743 = arith.constant 0 : i32
      %dma_start3A_744 = arith.constant 0 : i32
      %dma_start3A_745 = tpu.memref_slice %arg10[%dma_start3A_743, %dma_start3A_744] : memref<1x1000000xf32, #tpu.memory_space<vmem_shared>> -> memref<1x1000000xf32, #tpu.memory_space<vmem_shared>>
      tpu.enqueue_indirect_dma source(%dma_start3A_745 : memref<1x1000000xf32, #tpu.memory_space<vmem_shared>>) target(%dma_start3A_738 : memref<1x128xf32, #tpu.memory_space<vmem>>) offsets(%dma_start3A_742 : memref<1x128xi32, #tpu.memory_space<vmem>>) semaphore(%arg11 : memref<!tpu.dma_semaphore, #tpu.memory_space<semaphore_mem>>) {add = true}
      %add3A_746 = arith.constant 4 : i32
      %add3A_747 = arith.addi %mul3A_689, %add3A_746 : i32
      %dma_start3A_748 = arith.constant 0 : i32
      %dma_start3A_749 = arith.constant 0 : i32
      %dma_start3A_750 = arith.constant 0 : i32
      %dma_start3A_751 = tpu.memref_slice %arg7[%dma_start3A_748, %dma_start3A_749, %dma_start3A_750] : memref<4x1x128xf32, #tpu.memory_space<vmem>> -> memref<1x1x128xf32, #tpu.memory_space<vmem>>
      %dma_start3A_752 = tpu.memref_squeeze %dma_start3A_751 : memref<1x1x128xf32, #tpu.memory_space<vmem>> -> memref<1x128xf32, #tpu.memory_space<vmem>>
      %dma_start3A_753 = arith.constant 0 : i32
      %dma_start3A_754 = arith.constant 0 : i32
      %dma_start3A_755 = tpu.memref_slice %arg6[%add3A_747, %dma_start3A_753, %dma_start3A_754] : memref<104x1x128xi32, #tpu.memory_space<vmem>> -> memref<1x1x128xi32, #tpu.memory_space<vmem>>
      %dma_start3A_756 = tpu.memref_squeeze %dma_start3A_755 : memref<1x1x128xi32, #tpu.memory_space<vmem>> -> memref<1x128xi32, #tpu.memory_space<vmem>>
      %dma_start3A_757 = arith.constant 0 : i32
      %dma_start3A_758 = arith.constant 0 : i32
      %dma_start3A_759 = tpu.memref_slice %arg10[%dma_start3A_757, %dma_start3A_758] : memref<1x1000000xf32, #tpu.memory_space<vmem_shared>> -> memref<1x1000000xf32, #tpu.memory_space<vmem_shared>>
      tpu.enqueue_indirect_dma source(%dma_start3A_759 : memref<1x1000000xf32, #tpu.memory_space<vmem_shared>>) target(%dma_start3A_752 : memref<1x128xf32, #tpu.memory_space<vmem>>) offsets(%dma_start3A_756 : memref<1x128xi32, #tpu.memory_space<vmem>>) semaphore(%arg11 : memref<!tpu.dma_semaphore, #tpu.memory_space<semaphore_mem>>) {add = true}
      %add3A_760 = arith.constant 5 : i32
      %add3A_761 = arith.addi %mul3A_689, %add3A_760 : i32
      %dma_start3A_762 = arith.constant 1 : i32
      %dma_start3A_763 = arith.constant 0 : i32
      %dma_start3A_764 = arith.constant 0 : i32
      %dma_start3A_765 = tpu.memref_slice %arg7[%dma_start3A_762, %dma_start3A_763, %dma_start3A_764] : memref<4x1x128xf32, #tpu.memory_space<vmem>> -> memref<1x1x128xf32, #tpu.memory_space<vmem>>
      %dma_start3A_766 = tpu.memref_squeeze %dma_start3A_765 : memref<1x1x128xf32, #tpu.memory_space<vmem>> -> memref<1x128xf32, #tpu.memory_space<vmem>>
      %dma_start3A_767 = arith.constant 0 : i32
      %dma_start3A_768 = arith.constant 0 : i32
      %dma_start3A_769 = tpu.memref_slice %arg6[%add3A_761, %dma_start3A_767, %dma_start3A_768] : memref<104x1x128xi32, #tpu.memory_space<vmem>> -> memref<1x1x128xi32, #tpu.memory_space<vmem>>
      %dma_start3A_770 = tpu.memref_squeeze %dma_start3A_769 : memref<1x1x128xi32, #tpu.memory_space<vmem>> -> memref<1x128xi32, #tpu.memory_space<vmem>>
      %dma_start3A_771 = arith.constant 0 : i32
      %dma_start3A_772 = arith.constant 0 : i32
      %dma_start3A_773 = tpu.memref_slice %arg10[%dma_start3A_771, %dma_start3A_772] : memref<1x1000000xf32, #tpu.memory_space<vmem_shared>> -> memref<1x1000000xf32, #tpu.memory_space<vmem_shared>>
      tpu.enqueue_indirect_dma source(%dma_start3A_773 : memref<1x1000000xf32, #tpu.memory_space<vmem_shared>>) target(%dma_start3A_766 : memref<1x128xf32, #tpu.memory_space<vmem>>) offsets(%dma_start3A_770 : memref<1x128xi32, #tpu.memory_space<vmem>>) semaphore(%arg11 : memref<!tpu.dma_semaphore, #tpu.memory_space<semaphore_mem>>) {add = true}
      %add3A_774 = arith.constant 6 : i32
      %add3A_775 = arith.addi %mul3A_689, %add3A_774 : i32
      %dma_start3A_776 = arith.constant 2 : i32
      %dma_start3A_777 = arith.constant 0 : i32
      %dma_start3A_778 = arith.constant 0 : i32
      %dma_start3A_779 = tpu.memref_slice %arg7[%dma_start3A_776, %dma_start3A_777, %dma_start3A_778] : memref<4x1x128xf32, #tpu.memory_space<vmem>> -> memref<1x1x128xf32, #tpu.memory_space<vmem>>
      %dma_start3A_780 = tpu.memref_squeeze %dma_start3A_779 : memref<1x1x128xf32, #tpu.memory_space<vmem>> -> memref<1x128xf32, #tpu.memory_space<vmem>>
      %dma_start3A_781 = arith.constant 0 : i32
      %dma_start3A_782 = arith.constant 0 : i32
      %dma_start3A_783 = tpu.memref_slice %arg6[%add3A_775, %dma_start3A_781, %dma_start3A_782] : memref<104x1x128xi32, #tpu.memory_space<vmem>> -> memref<1x1x128xi32, #tpu.memory_space<vmem>>
      %dma_start3A_784 = tpu.memref_squeeze %dma_start3A_783 : memref<1x1x128xi32, #tpu.memory_space<vmem>> -> memref<1x128xi32, #tpu.memory_space<vmem>>
      %dma_start3A_785 = arith.constant 0 : i32
      %dma_start3A_786 = arith.constant 0 : i32
      %dma_start3A_787 = tpu.memref_slice %arg10[%dma_start3A_785, %dma_start3A_786] : memref<1x1000000xf32, #tpu.memory_space<vmem_shared>> -> memref<1x1000000xf32, #tpu.memory_space<vmem_shared>>
      tpu.enqueue_indirect_dma source(%dma_start3A_787 : memref<1x1000000xf32, #tpu.memory_space<vmem_shared>>) target(%dma_start3A_780 : memref<1x128xf32, #tpu.memory_space<vmem>>) offsets(%dma_start3A_784 : memref<1x128xi32, #tpu.memory_space<vmem>>) semaphore(%arg11 : memref<!tpu.dma_semaphore, #tpu.memory_space<semaphore_mem>>) {add = true}
      %add3A_788 = arith.constant 7 : i32
      %add3A_789 = arith.addi %mul3A_689, %add3A_788 : i32
      %dma_start3A_790 = arith.constant 3 : i32
      %dma_start3A_791 = arith.constant 0 : i32
      %dma_start3A_792 = arith.constant 0 : i32
      %dma_start3A_793 = tpu.memref_slice %arg7[%dma_start3A_790, %dma_start3A_791, %dma_start3A_792] : memref<4x1x128xf32, #tpu.memory_space<vmem>> -> memref<1x1x128xf32, #tpu.memory_space<vmem>>
      %dma_start3A_794 = tpu.memref_squeeze %dma_start3A_793 : memref<1x1x128xf32, #tpu.memory_space<vmem>> -> memref<1x128xf32, #tpu.memory_space<vmem>>
      %dma_start3A_795 = arith.constant 0 : i32
      %dma_start3A_796 = arith.constant 0 : i32
      %dma_start3A_797 = tpu.memref_slice %arg6[%add3A_789, %dma_start3A_795, %dma_start3A_796] : memref<104x1x128xi32, #tpu.memory_space<vmem>> -> memref<1x1x128xi32, #tpu.memory_space<vmem>>
      %dma_start3A_798 = tpu.memref_squeeze %dma_start3A_797 : memref<1x1x128xi32, #tpu.memory_space<vmem>> -> memref<1x128xi32, #tpu.memory_space<vmem>>
      %dma_start3A_799 = arith.constant 0 : i32
      %dma_start3A_800 = arith.constant 0 : i32
      %dma_start3A_801 = tpu.memref_slice %arg10[%dma_start3A_799, %dma_start3A_800] : memref<1x1000000xf32, #tpu.memory_space<vmem_shared>> -> memref<1x1000000xf32, #tpu.memory_space<vmem_shared>>
      tpu.enqueue_indirect_dma source(%dma_start3A_801 : memref<1x1000000xf32, #tpu.memory_space<vmem_shared>>) target(%dma_start3A_794 : memref<1x128xf32, #tpu.memory_space<vmem>>) offsets(%dma_start3A_798 : memref<1x128xi32, #tpu.memory_space<vmem>>) semaphore(%arg11 : memref<!tpu.dma_semaphore, #tpu.memory_space<semaphore_mem>>) {add = true}
    }
    %scan3A_284 = arith.constant 13 : i32
    %dma_wait3A_285 = arith.constant 0 : i32
    %dma_wait3A_286 = arith.constant 0 : i32
    %dma_wait3A_287 = arith.constant 0 : i32
    %dma_wait3A_288 = tpu.memref_slice %arg2[%add3A, %dma_wait3A_285, %dma_wait3A_286, %dma_wait3A_287] : memref<32x104x1x128xi32, #tpu.memory_space<hbm>> -> memref<1x104x1x128xi32, #tpu.memory_space<hbm>>
    %dma_wait3A_289 = tpu.memref_squeeze %dma_wait3A_288 : memref<1x104x1x128xi32, #tpu.memory_space<hbm>> -> memref<104x1x128xi32, #tpu.memory_space<hbm>>
    %dma_wait3A_290 = arith.constant 0 : i32
    %dma_wait3A_291 = arith.constant 0 : i32
    %dma_wait3A_292 = arith.constant 0 : i32
    %dma_wait3A_293 = tpu.memref_slice %arg2[%add3A, %dma_wait3A_290, %dma_wait3A_291, %dma_wait3A_292] : memref<32x104x1x128xi32, #tpu.memory_space<hbm>> -> memref<1x104x1x128xi32, #tpu.memory_space<hbm>>
    %dma_wait3A_294 = tpu.memref_squeeze %dma_wait3A_293 : memref<1x104x1x128xi32, #tpu.memory_space<hbm>> -> memref<104x1x128xi32, #tpu.memory_space<hbm>>
    tpu.wait_dma2 semaphore(%arg11 : memref<!tpu.dma_semaphore, #tpu.memory_space<semaphore_mem>>) src(%dma_wait3A_294 : memref<104x1x128xi32, #tpu.memory_space<hbm>>) dst(%arg6 : memref<104x1x128xi32, #tpu.memory_space<vmem>>)
    %get3A = arith.constant 0 : index
    %get3A_295 = tpu.vector_load %arg9[%get3A] {strides = array<i32>} : memref<16xf32, #tpu.memory_space<vmem>>, vector<16xf32>,
    %get3A_296 = vector.shape_cast %get3A_295 : vector<16xf32> to vector<16xf32>
    %get3A_297 = arith.constant 0 : i32
    %get3A_298 = arith.constant 0 : i32
    %get3A_299 = arith.index_cast %get3A_297 : i32 to index
    %get3A_300 = arith.index_cast %get3A_298 : i32 to index
    %get3A_301 = arith.constant 0 : index
    %get3A_302 = tpu.vector_load %arg7[%get3A_299, %get3A_300, %get3A_301] {strides = array<i32>} : memref<4x1x128xf32, #tpu.memory_space<vmem>>, vector<1x1x16xf32>,
    %get3A_303 = vector.shape_cast %get3A_302 : vector<1x1x16xf32> to vector<16xf32>
    %add3A_304 = arith.addf %get3A_303, %get3A_296 : vector<16xf32>
    %swap3A_305 = arith.constant 0 : index
    %swap3A_306 = tpu.vector_load %arg8[%swap3A_305] {strides = array<i32>} : memref<512xf32, #tpu.memory_space<vmem>>, vector<16xf32>,
    %swap3A_307 = vector.shape_cast %swap3A_306 : vector<16xf32> to vector<16xf32>
    %swap3A_308 = vector.shape_cast %add3A_304 : vector<16xf32> to vector<16xf32>
    tpu.vector_store %arg8[%swap3A_305], %swap3A_308 {strides = array<i32>} : memref<512xf32, #tpu.memory_space<vmem>>, vector<16xf32>,
    %get3A_309 = arith.constant 0 : i32
    %get3A_310 = arith.constant 0 : i32
    %get3A_311 = arith.index_cast %get3A_309 : i32 to index
    %get3A_312 = arith.index_cast %get3A_310 : i32 to index
    %get3A_313 = arith.constant 16 : index
    %get3A_314 = tpu.vector_load %arg7[%get3A_311, %get3A_312, %get3A_313] {strides = array<i32>} : memref<4x1x128xf32, #tpu.memory_space<vmem>>, vector<1x1x16xf32>,
    %get3A_315 = vector.shape_cast %get3A_314 : vector<1x1x16xf32> to vector<16xf32>
    %add3A_316 = arith.addf %get3A_315, %get3A_296 : vector<16xf32>
    %swap3A_317 = arith.constant 16 : index
    %swap3A_318 = tpu.vector_load %arg8[%swap3A_317] {strides = array<i32>} : memref<512xf32, #tpu.memory_space<vmem>>, vector<16xf32>,
    %swap3A_319 = vector.shape_cast %swap3A_318 : vector<16xf32> to vector<16xf32>
    %swap3A_320 = vector.shape_cast %add3A_316 : vector<16xf32> to vector<16xf32>
    tpu.vector_store %arg8[%swap3A_317], %swap3A_320 {strides = array<i32>} : memref<512xf32, #tpu.memory_space<vmem>>, vector<16xf32>,
    %get3A_321 = arith.constant 0 : i32
    %get3A_322 = arith.constant 0 : i32
    %get3A_323 = arith.index_cast %get3A_321 : i32 to index
    %get3A_324 = arith.index_cast %get3A_322 : i32 to index
    %get3A_325 = arith.constant 32 : index
    %get3A_326 = tpu.vector_load %arg7[%get3A_323, %get3A_324, %get3A_325] {strides = array<i32>} : memref<4x1x128xf32, #tpu.memory_space<vmem>>, vector<1x1x16xf32>,
    %get3A_327 = vector.shape_cast %get3A_326 : vector<1x1x16xf32> to vector<16xf32>
    %add3A_328 = arith.addf %get3A_327, %get3A_296 : vector<16xf32>
    %swap3A_329 = arith.constant 32 : index
    %swap3A_330 = tpu.vector_load %arg8[%swap3A_329] {strides = array<i32>} : memref<512xf32, #tpu.memory_space<vmem>>, vector<16xf32>,
    %swap3A_331 = vector.shape_cast %swap3A_330 : vector<16xf32> to vector<16xf32>
    %swap3A_332 = vector.shape_cast %add3A_328 : vector<16xf32> to vector<16xf32>
    tpu.vector_store %arg8[%swap3A_329], %swap3A_332 {strides = array<i32>} : memref<512xf32, #tpu.memory_space<vmem>>, vector<16xf32>,
    %get3A_333 = arith.constant 0 : i32
    %get3A_334 = arith.constant 0 : i32
    %get3A_335 = arith.index_cast %get3A_333 : i32 to index
    %get3A_336 = arith.index_cast %get3A_334 : i32 to index
    %get3A_337 = arith.constant 48 : index
    %get3A_338 = tpu.vector_load %arg7[%get3A_335, %get3A_336, %get3A_337] {strides = array<i32>} : memref<4x1x128xf32, #tpu.memory_space<vmem>>, vector<1x1x16xf32>,
    %get3A_339 = vector.shape_cast %get3A_338 : vector<1x1x16xf32> to vector<16xf32>
    %add3A_340 = arith.addf %get3A_339, %get3A_296 : vector<16xf32>
    %swap3A_341 = arith.constant 48 : index
    %swap3A_342 = tpu.vector_load %arg8[%swap3A_341] {strides = array<i32>} : memref<512xf32, #tpu.memory_space<vmem>>, vector<16xf32>,
    %swap3A_343 = vector.shape_cast %swap3A_342 : vector<16xf32> to vector<16xf32>
    %swap3A_344 = vector.shape_cast %add3A_340 : vector<16xf32> to vector<16xf32>
    tpu.vector_store %arg8[%swap3A_341], %swap3A_344 {strides = array<i32>} : memref<512xf32, #tpu.memory_space<vmem>>, vector<16xf32>,
    %get3A_345 = arith.constant 0 : i32
    %get3A_346 = arith.constant 0 : i32
    %get3A_347 = arith.index_cast %get3A_345 : i32 to index
    %get3A_348 = arith.index_cast %get3A_346 : i32 to index
    %get3A_349 = arith.constant 64 : index
    %get3A_350 = tpu.vector_load %arg7[%get3A_347, %get3A_348, %get3A_349] {strides = array<i32>} : memref<4x1x128xf32, #tpu.memory_space<vmem>>, vector<1x1x16xf32>,
    %get3A_351 = vector.shape_cast %get3A_350 : vector<1x1x16xf32> to vector<16xf32>
    %add3A_352 = arith.addf %get3A_351, %get3A_296 : vector<16xf32>
    %swap3A_353 = arith.constant 64 : index
    %swap3A_354 = tpu.vector_load %arg8[%swap3A_353] {strides = array<i32>} : memref<512xf32, #tpu.memory_space<vmem>>, vector<16xf32>,
    %swap3A_355 = vector.shape_cast %swap3A_354 : vector<16xf32> to vector<16xf32>
    %swap3A_356 = vector.shape_cast %add3A_352 : vector<16xf32> to vector<16xf32>
    tpu.vector_store %arg8[%swap3A_353], %swap3A_356 {strides = array<i32>} : memref<512xf32, #tpu.memory_space<vmem>>, vector<16xf32>,
    %get3A_357 = arith.constant 0 : i32
    %get3A_358 = arith.constant 0 : i32
    %get3A_359 = arith.index_cast %get3A_357 : i32 to index
    %get3A_360 = arith.index_cast %get3A_358 : i32 to index
    %get3A_361 = arith.constant 80 : index
    %get3A_362 = tpu.vector_load %arg7[%get3A_359, %get3A_360, %get3A_361] {strides = array<i32>} : memref<4x1x128xf32, #tpu.memory_space<vmem>>, vector<1x1x16xf32>,
    %get3A_363 = vector.shape_cast %get3A_362 : vector<1x1x16xf32> to vector<16xf32>
    %add3A_364 = arith.addf %get3A_363, %get3A_296 : vector<16xf32>
    %swap3A_365 = arith.constant 80 : index
    %swap3A_366 = tpu.vector_load %arg8[%swap3A_365] {strides = array<i32>} : memref<512xf32, #tpu.memory_space<vmem>>, vector<16xf32>,
    %swap3A_367 = vector.shape_cast %swap3A_366 : vector<16xf32> to vector<16xf32>
    %swap3A_368 = vector.shape_cast %add3A_364 : vector<16xf32> to vector<16xf32>
    tpu.vector_store %arg8[%swap3A_365], %swap3A_368 {strides = array<i32>} : memref<512xf32, #tpu.memory_space<vmem>>, vector<16xf32>,
    %get3A_369 = arith.constant 0 : i32
    %get3A_370 = arith.constant 0 : i32
    %get3A_371 = arith.index_cast %get3A_369 : i32 to index
    %get3A_372 = arith.index_cast %get3A_370 : i32 to index
    %get3A_373 = arith.constant 96 : index
    %get3A_374 = tpu.vector_load %arg7[%get3A_371, %get3A_372, %get3A_373] {strides = array<i32>} : memref<4x1x128xf32, #tpu.memory_space<vmem>>, vector<1x1x16xf32>,
    %get3A_375 = vector.shape_cast %get3A_374 : vector<1x1x16xf32> to vector<16xf32>
    %add3A_376 = arith.addf %get3A_375, %get3A_296 : vector<16xf32>
    %swap3A_377 = arith.constant 96 : index
    %swap3A_378 = tpu.vector_load %arg8[%swap3A_377] {strides = array<i32>} : memref<512xf32, #tpu.memory_space<vmem>>, vector<16xf32>,
    %swap3A_379 = vector.shape_cast %swap3A_378 : vector<16xf32> to vector<16xf32>
    %swap3A_380 = vector.shape_cast %add3A_376 : vector<16xf32> to vector<16xf32>
    tpu.vector_store %arg8[%swap3A_377], %swap3A_380 {strides = array<i32>} : memref<512xf32, #tpu.memory_space<vmem>>, vector<16xf32>,
    %get3A_381 = arith.constant 0 : i32
    %get3A_382 = arith.constant 0 : i32
    %get3A_383 = arith.index_cast %get3A_381 : i32 to index
    %get3A_384 = arith.index_cast %get3A_382 : i32 to index
    %get3A_385 = arith.constant 112 : index
    %get3A_386 = tpu.vector_load %arg7[%get3A_383, %get3A_384, %get3A_385] {strides = array<i32>} : memref<4x1x128xf32, #tpu.memory_space<vmem>>, vector<1x1x16xf32>,
    %get3A_387 = vector.shape_cast %get3A_386 : vector<1x1x16xf32> to vector<16xf32>
    %add3A_388 = arith.addf %get3A_387, %get3A_296 : vector<16xf32>
    %swap3A_389 = arith.constant 112 : index
    %swap3A_390 = tpu.vector_load %arg8[%swap3A_389] {strides = array<i32>} : memref<512xf32, #tpu.memory_space<vmem>>, vector<16xf32>,
    %swap3A_391 = vector.shape_cast %swap3A_390 : vector<16xf32> to vector<16xf32>
    %swap3A_392 = vector.shape_cast %add3A_388 : vector<16xf32> to vector<16xf32>
    tpu.vector_store %arg8[%swap3A_389], %swap3A_392 {strides = array<i32>} : memref<512xf32, #tpu.memory_space<vmem>>, vector<16xf32>,
    %get3A_393 = arith.constant 1 : i32
    %get3A_394 = arith.constant 0 : i32
    %get3A_395 = arith.index_cast %get3A_393 : i32 to index
    %get3A_396 = arith.index_cast %get3A_394 : i32 to index
    %get3A_397 = arith.constant 0 : index
    %get3A_398 = tpu.vector_load %arg7[%get3A_395, %get3A_396, %get3A_397] {strides = array<i32>} : memref<4x1x128xf32, #tpu.memory_space<vmem>>, vector<1x1x16xf32>,
    %get3A_399 = vector.shape_cast %get3A_398 : vector<1x1x16xf32> to vector<16xf32>
    %add3A_400 = arith.addf %get3A_399, %get3A_296 : vector<16xf32>
    %swap3A_401 = arith.constant 128 : index
    %swap3A_402 = tpu.vector_load %arg8[%swap3A_401] {strides = array<i32>} : memref<512xf32, #tpu.memory_space<vmem>>, vector<16xf32>,
    %swap3A_403 = vector.shape_cast %swap3A_402 : vector<16xf32> to vector<16xf32>
    %swap3A_404 = vector.shape_cast %add3A_400 : vector<16xf32> to vector<16xf32>
    tpu.vector_store %arg8[%swap3A_401], %swap3A_404 {strides = array<i32>} : memref<512xf32, #tpu.memory_space<vmem>>, vector<16xf32>,
    %get3A_405 = arith.constant 1 : i32
    %get3A_406 = arith.constant 0 : i32
    %get3A_407 = arith.index_cast %get3A_405 : i32 to index
    %get3A_408 = arith.index_cast %get3A_406 : i32 to index
    %get3A_409 = arith.constant 16 : index
    %get3A_410 = tpu.vector_load %arg7[%get3A_407, %get3A_408, %get3A_409] {strides = array<i32>} : memref<4x1x128xf32, #tpu.memory_space<vmem>>, vector<1x1x16xf32>,
    %get3A_411 = vector.shape_cast %get3A_410 : vector<1x1x16xf32> to vector<16xf32>
    %add3A_412 = arith.addf %get3A_411, %get3A_296 : vector<16xf32>
    %swap3A_413 = arith.constant 144 : index
    %swap3A_414 = tpu.vector_load %arg8[%swap3A_413] {strides = array<i32>} : memref<512xf32, #tpu.memory_space<vmem>>, vector<16xf32>,
    %swap3A_415 = vector.shape_cast %swap3A_414 : vector<16xf32> to vector<16xf32>
    %swap3A_416 = vector.shape_cast %add3A_412 : vector<16xf32> to vector<16xf32>
    tpu.vector_store %arg8[%swap3A_413], %swap3A_416 {strides = array<i32>} : memref<512xf32, #tpu.memory_space<vmem>>, vector<16xf32>,
    %get3A_417 = arith.constant 1 : i32
    %get3A_418 = arith.constant 0 : i32
    %get3A_419 = arith.index_cast %get3A_417 : i32 to index
    %get3A_420 = arith.index_cast %get3A_418 : i32 to index
    %get3A_421 = arith.constant 32 : index
    %get3A_422 = tpu.vector_load %arg7[%get3A_419, %get3A_420, %get3A_421] {strides = array<i32>} : memref<4x1x128xf32, #tpu.memory_space<vmem>>, vector<1x1x16xf32>,
    %get3A_423 = vector.shape_cast %get3A_422 : vector<1x1x16xf32> to vector<16xf32>
    %add3A_424 = arith.addf %get3A_423, %get3A_296 : vector<16xf32>
    %swap3A_425 = arith.constant 160 : index
    %swap3A_426 = tpu.vector_load %arg8[%swap3A_425] {strides = array<i32>} : memref<512xf32, #tpu.memory_space<vmem>>, vector<16xf32>,
    %swap3A_427 = vector.shape_cast %swap3A_426 : vector<16xf32> to vector<16xf32>
    %swap3A_428 = vector.shape_cast %add3A_424 : vector<16xf32> to vector<16xf32>
    tpu.vector_store %arg8[%swap3A_425], %swap3A_428 {strides = array<i32>} : memref<512xf32, #tpu.memory_space<vmem>>, vector<16xf32>,
    %get3A_429 = arith.constant 1 : i32
    %get3A_430 = arith.constant 0 : i32
    %get3A_431 = arith.index_cast %get3A_429 : i32 to index
    %get3A_432 = arith.index_cast %get3A_430 : i32 to index
    %get3A_433 = arith.constant 48 : index
    %get3A_434 = tpu.vector_load %arg7[%get3A_431, %get3A_432, %get3A_433] {strides = array<i32>} : memref<4x1x128xf32, #tpu.memory_space<vmem>>, vector<1x1x16xf32>,
    %get3A_435 = vector.shape_cast %get3A_434 : vector<1x1x16xf32> to vector<16xf32>
    %add3A_436 = arith.addf %get3A_435, %get3A_296 : vector<16xf32>
    %swap3A_437 = arith.constant 176 : index
    %swap3A_438 = tpu.vector_load %arg8[%swap3A_437] {strides = array<i32>} : memref<512xf32, #tpu.memory_space<vmem>>, vector<16xf32>,
    %swap3A_439 = vector.shape_cast %swap3A_438 : vector<16xf32> to vector<16xf32>
    %swap3A_440 = vector.shape_cast %add3A_436 : vector<16xf32> to vector<16xf32>
    tpu.vector_store %arg8[%swap3A_437], %swap3A_440 {strides = array<i32>} : memref<512xf32, #tpu.memory_space<vmem>>, vector<16xf32>,
    %get3A_441 = arith.constant 1 : i32
    %get3A_442 = arith.constant 0 : i32
    %get3A_443 = arith.index_cast %get3A_441 : i32 to index
    %get3A_444 = arith.index_cast %get3A_442 : i32 to index
    %get3A_445 = arith.constant 64 : index
    %get3A_446 = tpu.vector_load %arg7[%get3A_443, %get3A_444, %get3A_445] {strides = array<i32>} : memref<4x1x128xf32, #tpu.memory_space<vmem>>, vector<1x1x16xf32>,
    %get3A_447 = vector.shape_cast %get3A_446 : vector<1x1x16xf32> to vector<16xf32>
    %add3A_448 = arith.addf %get3A_447, %get3A_296 : vector<16xf32>
    %swap3A_449 = arith.constant 192 : index
    %swap3A_450 = tpu.vector_load %arg8[%swap3A_449] {strides = array<i32>} : memref<512xf32, #tpu.memory_space<vmem>>, vector<16xf32>,
    %swap3A_451 = vector.shape_cast %swap3A_450 : vector<16xf32> to vector<16xf32>
    %swap3A_452 = vector.shape_cast %add3A_448 : vector<16xf32> to vector<16xf32>
    tpu.vector_store %arg8[%swap3A_449], %swap3A_452 {strides = array<i32>} : memref<512xf32, #tpu.memory_space<vmem>>, vector<16xf32>,
    %get3A_453 = arith.constant 1 : i32
    %get3A_454 = arith.constant 0 : i32
    %get3A_455 = arith.index_cast %get3A_453 : i32 to index
    %get3A_456 = arith.index_cast %get3A_454 : i32 to index
    %get3A_457 = arith.constant 80 : index
    %get3A_458 = tpu.vector_load %arg7[%get3A_455, %get3A_456, %get3A_457] {strides = array<i32>} : memref<4x1x128xf32, #tpu.memory_space<vmem>>, vector<1x1x16xf32>,
    %get3A_459 = vector.shape_cast %get3A_458 : vector<1x1x16xf32> to vector<16xf32>
    %add3A_460 = arith.addf %get3A_459, %get3A_296 : vector<16xf32>
    %swap3A_461 = arith.constant 208 : index
    %swap3A_462 = tpu.vector_load %arg8[%swap3A_461] {strides = array<i32>} : memref<512xf32, #tpu.memory_space<vmem>>, vector<16xf32>,
    %swap3A_463 = vector.shape_cast %swap3A_462 : vector<16xf32> to vector<16xf32>
    %swap3A_464 = vector.shape_cast %add3A_460 : vector<16xf32> to vector<16xf32>
    tpu.vector_store %arg8[%swap3A_461], %swap3A_464 {strides = array<i32>} : memref<512xf32, #tpu.memory_space<vmem>>, vector<16xf32>,
    %get3A_465 = arith.constant 1 : i32
    %get3A_466 = arith.constant 0 : i32
    %get3A_467 = arith.index_cast %get3A_465 : i32 to index
    %get3A_468 = arith.index_cast %get3A_466 : i32 to index
    %get3A_469 = arith.constant 96 : index
    %get3A_470 = tpu.vector_load %arg7[%get3A_467, %get3A_468, %get3A_469] {strides = array<i32>} : memref<4x1x128xf32, #tpu.memory_space<vmem>>, vector<1x1x16xf32>,
    %get3A_471 = vector.shape_cast %get3A_470 : vector<1x1x16xf32> to vector<16xf32>
    %add3A_472 = arith.addf %get3A_471, %get3A_296 : vector<16xf32>
    %swap3A_473 = arith.constant 224 : index
    %swap3A_474 = tpu.vector_load %arg8[%swap3A_473] {strides = array<i32>} : memref<512xf32, #tpu.memory_space<vmem>>, vector<16xf32>,
    %swap3A_475 = vector.shape_cast %swap3A_474 : vector<16xf32> to vector<16xf32>
    %swap3A_476 = vector.shape_cast %add3A_472 : vector<16xf32> to vector<16xf32>
    tpu.vector_store %arg8[%swap3A_473], %swap3A_476 {strides = array<i32>} : memref<512xf32, #tpu.memory_space<vmem>>, vector<16xf32>,
    %get3A_477 = arith.constant 1 : i32
    %get3A_478 = arith.constant 0 : i32
    %get3A_479 = arith.index_cast %get3A_477 : i32 to index
    %get3A_480 = arith.index_cast %get3A_478 : i32 to index
    %get3A_481 = arith.constant 112 : index
    %get3A_482 = tpu.vector_load %arg7[%get3A_479, %get3A_480, %get3A_481] {strides = array<i32>} : memref<4x1x128xf32, #tpu.memory_space<vmem>>, vector<1x1x16xf32>,
    %get3A_483 = vector.shape_cast %get3A_482 : vector<1x1x16xf32> to vector<16xf32>
    %add3A_484 = arith.addf %get3A_483, %get3A_296 : vector<16xf32>
    %swap3A_485 = arith.constant 240 : index
    %swap3A_486 = tpu.vector_load %arg8[%swap3A_485] {strides = array<i32>} : memref<512xf32, #tpu.memory_space<vmem>>, vector<16xf32>,
    %swap3A_487 = vector.shape_cast %swap3A_486 : vector<16xf32> to vector<16xf32>
    %swap3A_488 = vector.shape_cast %add3A_484 : vector<16xf32> to vector<16xf32>
    tpu.vector_store %arg8[%swap3A_485], %swap3A_488 {strides = array<i32>} : memref<512xf32, #tpu.memory_space<vmem>>, vector<16xf32>,
    %get3A_489 = arith.constant 2 : i32
    %get3A_490 = arith.constant 0 : i32
    %get3A_491 = arith.index_cast %get3A_489 : i32 to index
    %get3A_492 = arith.index_cast %get3A_490 : i32 to index
    %get3A_493 = arith.constant 0 : index
    %get3A_494 = tpu.vector_load %arg7[%get3A_491, %get3A_492, %get3A_493] {strides = array<i32>} : memref<4x1x128xf32, #tpu.memory_space<vmem>>, vector<1x1x16xf32>,
    %get3A_495 = vector.shape_cast %get3A_494 : vector<1x1x16xf32> to vector<16xf32>
    %add3A_496 = arith.addf %get3A_495, %get3A_296 : vector<16xf32>
    %swap3A_497 = arith.constant 256 : index
    %swap3A_498 = tpu.vector_load %arg8[%swap3A_497] {strides = array<i32>} : memref<512xf32, #tpu.memory_space<vmem>>, vector<16xf32>,
    %swap3A_499 = vector.shape_cast %swap3A_498 : vector<16xf32> to vector<16xf32>
    %swap3A_500 = vector.shape_cast %add3A_496 : vector<16xf32> to vector<16xf32>
    tpu.vector_store %arg8[%swap3A_497], %swap3A_500 {strides = array<i32>} : memref<512xf32, #tpu.memory_space<vmem>>, vector<16xf32>,
    %get3A_501 = arith.constant 2 : i32
    %get3A_502 = arith.constant 0 : i32
    %get3A_503 = arith.index_cast %get3A_501 : i32 to index
    %get3A_504 = arith.index_cast %get3A_502 : i32 to index
    %get3A_505 = arith.constant 16 : index
    %get3A_506 = tpu.vector_load %arg7[%get3A_503, %get3A_504, %get3A_505] {strides = array<i32>} : memref<4x1x128xf32, #tpu.memory_space<vmem>>, vector<1x1x16xf32>,
    %get3A_507 = vector.shape_cast %get3A_506 : vector<1x1x16xf32> to vector<16xf32>
    %add3A_508 = arith.addf %get3A_507, %get3A_296 : vector<16xf32>
    %swap3A_509 = arith.constant 272 : index
    %swap3A_510 = tpu.vector_load %arg8[%swap3A_509] {strides = array<i32>} : memref<512xf32, #tpu.memory_space<vmem>>, vector<16xf32>,
    %swap3A_511 = vector.shape_cast %swap3A_510 : vector<16xf32> to vector<16xf32>
    %swap3A_512 = vector.shape_cast %add3A_508 : vector<16xf32> to vector<16xf32>
    tpu.vector_store %arg8[%swap3A_509], %swap3A_512 {strides = array<i32>} : memref<512xf32, #tpu.memory_space<vmem>>, vector<16xf32>,
    %get3A_513 = arith.constant 2 : i32
    %get3A_514 = arith.constant 0 : i32
    %get3A_515 = arith.index_cast %get3A_513 : i32 to index
    %get3A_516 = arith.index_cast %get3A_514 : i32 to index
    %get3A_517 = arith.constant 32 : index
    %get3A_518 = tpu.vector_load %arg7[%get3A_515, %get3A_516, %get3A_517] {strides = array<i32>} : memref<4x1x128xf32, #tpu.memory_space<vmem>>, vector<1x1x16xf32>,
    %get3A_519 = vector.shape_cast %get3A_518 : vector<1x1x16xf32> to vector<16xf32>
    %add3A_520 = arith.addf %get3A_519, %get3A_296 : vector<16xf32>
    %swap3A_521 = arith.constant 288 : index
    %swap3A_522 = tpu.vector_load %arg8[%swap3A_521] {strides = array<i32>} : memref<512xf32, #tpu.memory_space<vmem>>, vector<16xf32>,
    %swap3A_523 = vector.shape_cast %swap3A_522 : vector<16xf32> to vector<16xf32>
    %swap3A_524 = vector.shape_cast %add3A_520 : vector<16xf32> to vector<16xf32>
    tpu.vector_store %arg8[%swap3A_521], %swap3A_524 {strides = array<i32>} : memref<512xf32, #tpu.memory_space<vmem>>, vector<16xf32>,
    %get3A_525 = arith.constant 2 : i32
    %get3A_526 = arith.constant 0 : i32
    %get3A_527 = arith.index_cast %get3A_525 : i32 to index
    %get3A_528 = arith.index_cast %get3A_526 : i32 to index
    %get3A_529 = arith.constant 48 : index
    %get3A_530 = tpu.vector_load %arg7[%get3A_527, %get3A_528, %get3A_529] {strides = array<i32>} : memref<4x1x128xf32, #tpu.memory_space<vmem>>, vector<1x1x16xf32>,
    %get3A_531 = vector.shape_cast %get3A_530 : vector<1x1x16xf32> to vector<16xf32>
    %add3A_532 = arith.addf %get3A_531, %get3A_296 : vector<16xf32>
    %swap3A_533 = arith.constant 304 : index
    %swap3A_534 = tpu.vector_load %arg8[%swap3A_533] {strides = array<i32>} : memref<512xf32, #tpu.memory_space<vmem>>, vector<16xf32>,
    %swap3A_535 = vector.shape_cast %swap3A_534 : vector<16xf32> to vector<16xf32>
    %swap3A_536 = vector.shape_cast %add3A_532 : vector<16xf32> to vector<16xf32>
    tpu.vector_store %arg8[%swap3A_533], %swap3A_536 {strides = array<i32>} : memref<512xf32, #tpu.memory_space<vmem>>, vector<16xf32>,
    %get3A_537 = arith.constant 2 : i32
    %get3A_538 = arith.constant 0 : i32
    %get3A_539 = arith.index_cast %get3A_537 : i32 to index
    %get3A_540 = arith.index_cast %get3A_538 : i32 to index
    %get3A_541 = arith.constant 64 : index
    %get3A_542 = tpu.vector_load %arg7[%get3A_539, %get3A_540, %get3A_541] {strides = array<i32>} : memref<4x1x128xf32, #tpu.memory_space<vmem>>, vector<1x1x16xf32>,
    %get3A_543 = vector.shape_cast %get3A_542 : vector<1x1x16xf32> to vector<16xf32>
    %add3A_544 = arith.addf %get3A_543, %get3A_296 : vector<16xf32>
    %swap3A_545 = arith.constant 320 : index
    %swap3A_546 = tpu.vector_load %arg8[%swap3A_545] {strides = array<i32>} : memref<512xf32, #tpu.memory_space<vmem>>, vector<16xf32>,
    %swap3A_547 = vector.shape_cast %swap3A_546 : vector<16xf32> to vector<16xf32>
    %swap3A_548 = vector.shape_cast %add3A_544 : vector<16xf32> to vector<16xf32>
    tpu.vector_store %arg8[%swap3A_545], %swap3A_548 {strides = array<i32>} : memref<512xf32, #tpu.memory_space<vmem>>, vector<16xf32>,
    %get3A_549 = arith.constant 2 : i32
    %get3A_550 = arith.constant 0 : i32
    %get3A_551 = arith.index_cast %get3A_549 : i32 to index
    %get3A_552 = arith.index_cast %get3A_550 : i32 to index
    %get3A_553 = arith.constant 80 : index
    %get3A_554 = tpu.vector_load %arg7[%get3A_551, %get3A_552, %get3A_553] {strides = array<i32>} : memref<4x1x128xf32, #tpu.memory_space<vmem>>, vector<1x1x16xf32>,
    %get3A_555 = vector.shape_cast %get3A_554 : vector<1x1x16xf32> to vector<16xf32>
    %add3A_556 = arith.addf %get3A_555, %get3A_296 : vector<16xf32>
    %swap3A_557 = arith.constant 336 : index
    %swap3A_558 = tpu.vector_load %arg8[%swap3A_557] {strides = array<i32>} : memref<512xf32, #tpu.memory_space<vmem>>, vector<16xf32>,
    %swap3A_559 = vector.shape_cast %swap3A_558 : vector<16xf32> to vector<16xf32>
    %swap3A_560 = vector.shape_cast %add3A_556 : vector<16xf32> to vector<16xf32>
    tpu.vector_store %arg8[%swap3A_557], %swap3A_560 {strides = array<i32>} : memref<512xf32, #tpu.memory_space<vmem>>, vector<16xf32>,
    %get3A_561 = arith.constant 2 : i32
    %get3A_562 = arith.constant 0 : i32
    %get3A_563 = arith.index_cast %get3A_561 : i32 to index
    %get3A_564 = arith.index_cast %get3A_562 : i32 to index
    %get3A_565 = arith.constant 96 : index
    %get3A_566 = tpu.vector_load %arg7[%get3A_563, %get3A_564, %get3A_565] {strides = array<i32>} : memref<4x1x128xf32, #tpu.memory_space<vmem>>, vector<1x1x16xf32>,
    %get3A_567 = vector.shape_cast %get3A_566 : vector<1x1x16xf32> to vector<16xf32>
    %add3A_568 = arith.addf %get3A_567, %get3A_296 : vector<16xf32>
    %swap3A_569 = arith.constant 352 : index
    %swap3A_570 = tpu.vector_load %arg8[%swap3A_569] {strides = array<i32>} : memref<512xf32, #tpu.memory_space<vmem>>, vector<16xf32>,
    %swap3A_571 = vector.shape_cast %swap3A_570 : vector<16xf32> to vector<16xf32>
    %swap3A_572 = vector.shape_cast %add3A_568 : vector<16xf32> to vector<16xf32>
    tpu.vector_store %arg8[%swap3A_569], %swap3A_572 {strides = array<i32>} : memref<512xf32, #tpu.memory_space<vmem>>, vector<16xf32>,
    %get3A_573 = arith.constant 2 : i32
    %get3A_574 = arith.constant 0 : i32
    %get3A_575 = arith.index_cast %get3A_573 : i32 to index
    %get3A_576 = arith.index_cast %get3A_574 : i32 to index
    %get3A_577 = arith.constant 112 : index
    %get3A_578 = tpu.vector_load %arg7[%get3A_575, %get3A_576, %get3A_577] {strides = array<i32>} : memref<4x1x128xf32, #tpu.memory_space<vmem>>, vector<1x1x16xf32>,
    %get3A_579 = vector.shape_cast %get3A_578 : vector<1x1x16xf32> to vector<16xf32>
    %add3A_580 = arith.addf %get3A_579, %get3A_296 : vector<16xf32>
    %swap3A_581 = arith.constant 368 : index
    %swap3A_582 = tpu.vector_load %arg8[%swap3A_581] {strides = array<i32>} : memref<512xf32, #tpu.memory_space<vmem>>, vector<16xf32>,
    %swap3A_583 = vector.shape_cast %swap3A_582 : vector<16xf32> to vector<16xf32>
    %swap3A_584 = vector.shape_cast %add3A_580 : vector<16xf32> to vector<16xf32>
    tpu.vector_store %arg8[%swap3A_581], %swap3A_584 {strides = array<i32>} : memref<512xf32, #tpu.memory_space<vmem>>, vector<16xf32>,
    %get3A_585 = arith.constant 3 : i32
    %get3A_586 = arith.constant 0 : i32
    %get3A_587 = arith.index_cast %get3A_585 : i32 to index
    %get3A_588 = arith.index_cast %get3A_586 : i32 to index
    %get3A_589 = arith.constant 0 : index
    %get3A_590 = tpu.vector_load %arg7[%get3A_587, %get3A_588, %get3A_589] {strides = array<i32>} : memref<4x1x128xf32, #tpu.memory_space<vmem>>, vector<1x1x16xf32>,
    %get3A_591 = vector.shape_cast %get3A_590 : vector<1x1x16xf32> to vector<16xf32>
    %add3A_592 = arith.addf %get3A_591, %get3A_296 : vector<16xf32>
    %swap3A_593 = arith.constant 384 : index
    %swap3A_594 = tpu.vector_load %arg8[%swap3A_593] {strides = array<i32>} : memref<512xf32, #tpu.memory_space<vmem>>, vector<16xf32>,
    %swap3A_595 = vector.shape_cast %swap3A_594 : vector<16xf32> to vector<16xf32>
    %swap3A_596 = vector.shape_cast %add3A_592 : vector<16xf32> to vector<16xf32>
    tpu.vector_store %arg8[%swap3A_593], %swap3A_596 {strides = array<i32>} : memref<512xf32, #tpu.memory_space<vmem>>, vector<16xf32>,
    %get3A_597 = arith.constant 3 : i32
    %get3A_598 = arith.constant 0 : i32
    %get3A_599 = arith.index_cast %get3A_597 : i32 to index
    %get3A_600 = arith.index_cast %get3A_598 : i32 to index
    %get3A_601 = arith.constant 16 : index
    %get3A_602 = tpu.vector_load %arg7[%get3A_599, %get3A_600, %get3A_601] {strides = array<i32>} : memref<4x1x128xf32, #tpu.memory_space<vmem>>, vector<1x1x16xf32>,
    %get3A_603 = vector.shape_cast %get3A_602 : vector<1x1x16xf32> to vector<16xf32>
    %add3A_604 = arith.addf %get3A_603, %get3A_296 : vector<16xf32>
    %swap3A_605 = arith.constant 400 : index
    %swap3A_606 = tpu.vector_load %arg8[%swap3A_605] {strides = array<i32>} : memref<512xf32, #tpu.memory_space<vmem>>, vector<16xf32>,
    %swap3A_607 = vector.shape_cast %swap3A_606 : vector<16xf32> to vector<16xf32>
    %swap3A_608 = vector.shape_cast %add3A_604 : vector<16xf32> to vector<16xf32>
    tpu.vector_store %arg8[%swap3A_605], %swap3A_608 {strides = array<i32>} : memref<512xf32, #tpu.memory_space<vmem>>, vector<16xf32>,
    %get3A_609 = arith.constant 3 : i32
    %get3A_610 = arith.constant 0 : i32
    %get3A_611 = arith.index_cast %get3A_609 : i32 to index
    %get3A_612 = arith.index_cast %get3A_610 : i32 to index
    %get3A_613 = arith.constant 32 : index
    %get3A_614 = tpu.vector_load %arg7[%get3A_611, %get3A_612, %get3A_613] {strides = array<i32>} : memref<4x1x128xf32, #tpu.memory_space<vmem>>, vector<1x1x16xf32>,
    %get3A_615 = vector.shape_cast %get3A_614 : vector<1x1x16xf32> to vector<16xf32>
    %add3A_616 = arith.addf %get3A_615, %get3A_296 : vector<16xf32>
    %swap3A_617 = arith.constant 416 : index
    %swap3A_618 = tpu.vector_load %arg8[%swap3A_617] {strides = array<i32>} : memref<512xf32, #tpu.memory_space<vmem>>, vector<16xf32>,
    %swap3A_619 = vector.shape_cast %swap3A_618 : vector<16xf32> to vector<16xf32>
    %swap3A_620 = vector.shape_cast %add3A_616 : vector<16xf32> to vector<16xf32>
    tpu.vector_store %arg8[%swap3A_617], %swap3A_620 {strides = array<i32>} : memref<512xf32, #tpu.memory_space<vmem>>, vector<16xf32>,
    %get3A_621 = arith.constant 3 : i32
    %get3A_622 = arith.constant 0 : i32
    %get3A_623 = arith.index_cast %get3A_621 : i32 to index
    %get3A_624 = arith.index_cast %get3A_622 : i32 to index
    %get3A_625 = arith.constant 48 : index
    %get3A_626 = tpu.vector_load %arg7[%get3A_623, %get3A_624, %get3A_625] {strides = array<i32>} : memref<4x1x128xf32, #tpu.memory_space<vmem>>, vector<1x1x16xf32>,
    %get3A_627 = vector.shape_cast %get3A_626 : vector<1x1x16xf32> to vector<16xf32>
    %add3A_628 = arith.addf %get3A_627, %get3A_296 : vector<16xf32>
    %swap3A_629 = arith.constant 432 : index
    %swap3A_630 = tpu.vector_load %arg8[%swap3A_629] {strides = array<i32>} : memref<512xf32, #tpu.memory_space<vmem>>, vector<16xf32>,
    %swap3A_631 = vector.shape_cast %swap3A_630 : vector<16xf32> to vector<16xf32>
    %swap3A_632 = vector.shape_cast %add3A_628 : vector<16xf32> to vector<16xf32>
    tpu.vector_store %arg8[%swap3A_629], %swap3A_632 {strides = array<i32>} : memref<512xf32, #tpu.memory_space<vmem>>, vector<16xf32>,
    %get3A_633 = arith.constant 3 : i32
    %get3A_634 = arith.constant 0 : i32
    %get3A_635 = arith.index_cast %get3A_633 : i32 to index
    %get3A_636 = arith.index_cast %get3A_634 : i32 to index
    %get3A_637 = arith.constant 64 : index
    %get3A_638 = tpu.vector_load %arg7[%get3A_635, %get3A_636, %get3A_637] {strides = array<i32>} : memref<4x1x128xf32, #tpu.memory_space<vmem>>, vector<1x1x16xf32>,
    %get3A_639 = vector.shape_cast %get3A_638 : vector<1x1x16xf32> to vector<16xf32>
    %add3A_640 = arith.addf %get3A_639, %get3A_296 : vector<16xf32>
    %swap3A_641 = arith.constant 448 : index
    %swap3A_642 = tpu.vector_load %arg8[%swap3A_641] {strides = array<i32>} : memref<512xf32, #tpu.memory_space<vmem>>, vector<16xf32>,
    %swap3A_643 = vector.shape_cast %swap3A_642 : vector<16xf32> to vector<16xf32>
    %swap3A_644 = vector.shape_cast %add3A_640 : vector<16xf32> to vector<16xf32>
    tpu.vector_store %arg8[%swap3A_641], %swap3A_644 {strides = array<i32>} : memref<512xf32, #tpu.memory_space<vmem>>, vector<16xf32>,
    %get3A_645 = arith.constant 3 : i32
    %get3A_646 = arith.constant 0 : i32
    %get3A_647 = arith.index_cast %get3A_645 : i32 to index
    %get3A_648 = arith.index_cast %get3A_646 : i32 to index
    %get3A_649 = arith.constant 80 : index
    %get3A_650 = tpu.vector_load %arg7[%get3A_647, %get3A_648, %get3A_649] {strides = array<i32>} : memref<4x1x128xf32, #tpu.memory_space<vmem>>, vector<1x1x16xf32>,
    %get3A_651 = vector.shape_cast %get3A_650 : vector<1x1x16xf32> to vector<16xf32>
    %add3A_652 = arith.addf %get3A_651, %get3A_296 : vector<16xf32>
    %swap3A_653 = arith.constant 464 : index
    %swap3A_654 = tpu.vector_load %arg8[%swap3A_653] {strides = array<i32>} : memref<512xf32, #tpu.memory_space<vmem>>, vector<16xf32>,
    %swap3A_655 = vector.shape_cast %swap3A_654 : vector<16xf32> to vector<16xf32>
    %swap3A_656 = vector.shape_cast %add3A_652 : vector<16xf32> to vector<16xf32>
    tpu.vector_store %arg8[%swap3A_653], %swap3A_656 {strides = array<i32>} : memref<512xf32, #tpu.memory_space<vmem>>, vector<16xf32>,
    %get3A_657 = arith.constant 3 : i32
    %get3A_658 = arith.constant 0 : i32
    %get3A_659 = arith.index_cast %get3A_657 : i32 to index
    %get3A_660 = arith.index_cast %get3A_658 : i32 to index
    %get3A_661 = arith.constant 96 : index
    %get3A_662 = tpu.vector_load %arg7[%get3A_659, %get3A_660, %get3A_661] {strides = array<i32>} : memref<4x1x128xf32, #tpu.memory_space<vmem>>, vector<1x1x16xf32>,
    %get3A_663 = vector.shape_cast %get3A_662 : vector<1x1x16xf32> to vector<16xf32>
    %add3A_664 = arith.addf %get3A_663, %get3A_296 : vector<16xf32>
    %swap3A_665 = arith.constant 480 : index
    %swap3A_666 = tpu.vector_load %arg8[%swap3A_665] {strides = array<i32>} : memref<512xf32, #tpu.memory_space<vmem>>, vector<16xf32>,
    %swap3A_667 = vector.shape_cast %swap3A_666 : vector<16xf32> to vector<16xf32>
    %swap3A_668 = vector.shape_cast %add3A_664 : vector<16xf32> to vector<16xf32>
    tpu.vector_store %arg8[%swap3A_665], %swap3A_668 {strides = array<i32>} : memref<512xf32, #tpu.memory_space<vmem>>, vector<16xf32>,
    %get3A_669 = arith.constant 3 : i32
    %get3A_670 = arith.constant 0 : i32
    %get3A_671 = arith.index_cast %get3A_669 : i32 to index
    %get3A_672 = arith.index_cast %get3A_670 : i32 to index
    %get3A_673 = arith.constant 112 : index
    %get3A_674 = tpu.vector_load %arg7[%get3A_671, %get3A_672, %get3A_673] {strides = array<i32>} : memref<4x1x128xf32, #tpu.memory_space<vmem>>, vector<1x1x16xf32>,
    %get3A_675 = vector.shape_cast %get3A_674 : vector<1x1x16xf32> to vector<16xf32>
    %add3A_676 = arith.addf %get3A_675, %get3A_296 : vector<16xf32>
    %swap3A_677 = arith.constant 496 : index
    %swap3A_678 = tpu.vector_load %arg8[%swap3A_677] {strides = array<i32>} : memref<512xf32, #tpu.memory_space<vmem>>, vector<16xf32>,
    %swap3A_679 = vector.shape_cast %swap3A_678 : vector<16xf32> to vector<16xf32>
    %swap3A_680 = vector.shape_cast %add3A_676 : vector<16xf32> to vector<16xf32>
    tpu.vector_store %arg8[%swap3A_677], %swap3A_680 {strides = array<i32>} : memref<512xf32, #tpu.memory_space<vmem>>, vector<16xf32>,
    %mul3A_681 = arith.constant 512 : i32
    %mul3A_682 = arith.muli %add3A, %mul3A_681 : i32
    %run_scoped3A = arith.constant 0 : i32
    "tpu.region"() ({
      %run_scoped3A_683 = tpu.sem_alloc : memref<!tpu.dma_semaphore, #tpu.memory_space<semaphore_mem>>
      %dma_start3A_684 = tpu.memref_slice %arg5[%run_scoped3A, %mul3A_682] : memref<1x16384xf32, #tpu.memory_space<hbm>> -> memref<1x512xf32, #tpu.memory_space<hbm>>
      %dma_start3A_685 = tpu.memref_squeeze %dma_start3A_684 : memref<1x512xf32, #tpu.memory_space<hbm>> -> memref<512xf32, #tpu.memory_space<hbm>>
      %dma_start3A_686 = tpu.memref_slice %arg5[%run_scoped3A, %mul3A_682] : memref<1x16384xf32, #tpu.memory_space<hbm>> -> memref<1x512xf32, #tpu.memory_space<hbm>>
      %dma_start3A_687 = tpu.memref_squeeze %dma_start3A_686 : memref<1x512xf32, #tpu.memory_space<hbm>> -> memref<512xf32, #tpu.memory_space<hbm>>
      tpu.enqueue_dma source(%arg8 : memref<512xf32, #tpu.memory_space<vmem>>) target(%dma_start3A_687 : memref<512xf32, #tpu.memory_space<hbm>>) target_semaphore(%run_scoped3A_683 : memref<!tpu.dma_semaphore, #tpu.memory_space<semaphore_mem>>)
      %dma_wait3A_688 = tpu.memref_slice %arg5[%run_scoped3A, %mul3A_682] : memref<1x16384xf32, #tpu.memory_space<hbm>> -> memref<1x512xf32, #tpu.memory_space<hbm>>
      %dma_wait3A_689 = tpu.memref_squeeze %dma_wait3A_688 : memref<1x512xf32, #tpu.memory_space<hbm>> -> memref<512xf32, #tpu.memory_space<hbm>>
      %dma_wait3A_690 = tpu.memref_slice %arg5[%run_scoped3A, %mul3A_682] : memref<1x16384xf32, #tpu.memory_space<hbm>> -> memref<1x512xf32, #tpu.memory_space<hbm>>
      %dma_wait3A_691 = tpu.memref_squeeze %dma_wait3A_690 : memref<1x512xf32, #tpu.memory_space<hbm>> -> memref<512xf32, #tpu.memory_space<hbm>>
      tpu.wait_dma2 semaphore(%run_scoped3A_683 : memref<!tpu.dma_semaphore, #tpu.memory_space<semaphore_mem>>) src(%arg8 : memref<512xf32, #tpu.memory_space<vmem>>) dst(%dma_wait3A_691 : memref<512xf32, #tpu.memory_space<hbm>>)
      tpu.yield
    }) : () -> ()
    return
  }
}

</mosaic_0001>

<sc_bundles>
// kernel: _fl_kernel.3.cloned.1.call-start
scs
__scs_entry_jumppad:
0x0: {  	(pc) =	sbr.rel $0x88, $3  }
0x1: {  	(tag) =	ssettag $0x0;
	lr =	simm.s32 $0x1  }
0x2: {  	[smem:$0x3F9E] =	sst lr;
	_ =	strace $0xD0000000  }
0x3: {  	_ = 	snop  }
0x4: {  	_ = 	snop  }
0x5: {  	_ = 	snop  }
0x6: {  	_ = 	snop  }
0x7: {  	_ = 	snop  }
__scs_overlays_trampoline_lowered:
0x8: {  	[smem:$0x3FAD] =	sst s0  }
0x9: {  	[smem:$0x3FAE] =	sst s1  }
0xa: {  	[smem:$0x3FAF] =	sst s2  }
0xb: {  	[smem:$0x3FB0] =	sst s3  }
0xc: {  	[smem:$0x3FB1] =	sst s4  }
0xd: {  	[smem:$0x3FB2] =	sst s5  }
0xe: {  	[smem:$0x3FB3] =	sst s6  }
0xf: {  	[smem:$0x3FB4] =	sst s7  }
0x10: {  	[smem:$0x3FB5] =	sst s8  }
0x11: {  	[smem:$0x3FB6] =	sst s9;
	s0 =	simm.s32 @!p0 $0x0  }
0x12: {  	s1 =	sld [smem:$0x3F9C];
	s0 =	simm.s32 @p0 $0x1  }
0x13: {  	[smem:$0x3FB7] =	sst s0;
	s0 =	simm.s32 @!p1 $0x0  }
0x14: {  	s2 =	sld [smem:$0x3F9B];
	s0 =	simm.s32 @p1 $0x1  }
0x15: {  	[smem:$0x3FB8] =	sst s0;
	s0 =	simm.s32 @!p2 $0x0  }
0x16: {  	s3 =	sld [smem:$0x3FDB];
	s0 =	simm.s32 @p2 $0x1  }
0x17: {  	s4 =	simm.s32 $0x1BF5;
	[smem:$0x3FBA] =	sst s0  }
0x18: {  	s0 =	sld [smem:$0x3F9D];
	_ =	swait.ge [sflag:s4], $0x0  }
0x19: {  	s7 =	sld [smem:$0x3F9E]  }
0x1a: {  	s8 =	sadd.s32 $0xFFFFE003, lr  }
0x1b: {  	s9 =	sadd.s32 $0xFFFFFEF7, lr;
	s5 =	simm.s32 $0xFFFFFFFF;
	p2 =	slt.u32 s8, $0xFFFFF086  }
0x1c: {  	p1 =	slt.u32 s9, $0xF7A;
	s5 =	simm.s32 @!p2 $0x0  }
0x1d: {  	s5 =	simm.s32 @p1 $0x1;
	p0 =	seq.s32 s7, s2  }
0x1e: {  	s7 =	smul.u32 @!p0 $0xF7A, s2;
	p2 =	seq.s32 @!p0 s5, $0x0  }
0x1f: {  	s9 =	smul.u32 $0xF7A, s1;
	s8 =	simm.s32 @!p0 $0x1BF5;
	p2 =	por !p2, p0  }
0x20: {  	[sflag:s8] =	ssyncset.s32 @!p0 $0xFFFFF086;
	s6 =	sadd.s32 @!p0 s3, s7;
	s7 =	simm.s32 @!p0 $0x108  }
0x21: {  	s3 =	sadd.s32 s3, s9;
	s6 =	sadd.s32 @!p0 $0x88, s6;
	s7 =	simm.s32 @p2 $0x1082  }
0x22: {  	[simem:s7], [sflag:s8] =	dma.local @!p0 [hbm:s6], $0xF7A  }
0x23: {  	s9 =	sor.u32 $0xD0000000, s2;
	s6 =	simm.s32 $0x108;
	_ =	swait.ge @!p0 [sflag:s8], $0x0  }
0x24: {  	s3 =	sadd.s32 $0x88, s3;
	s6 =	simm.s32 @!p1 $0x1082;
	[sflag:s4] =	ssyncset.s32 $0xFFFFF086  }
0x25: {  	[simem:s6], [sflag:s4] =	dma.local [hbm:s3], $0xF7A  }
0x26: {  	[smem:$0x3F9E] =	sst s1;
	(tag) =	ssettag s2;
	_ =	strace s9  }
0x27: {  	s1 =	sld [smem:$0x3FAE]  }
0x28: {  	s2 =	sld [smem:$0x3FAF]  }
0x29: {  	s4 =	sld [smem:$0x3FB1]  }
0x2a: {  	p0 =	seq.s32 s5, $0x0;
	s5 =	sld [smem:$0x3FB2]  }
0x2b: {  	s6 =	sld [smem:$0x3FB3]  }
0x2c: {  	s7 =	sld [smem:$0x3FB4]  }
0x2d: {  	s3 =	simm.s32 $0x108;
	s8 =	sld [smem:$0x3FB5]  }
0x2e: {  	s3 =	simm.s32 @!p0 $0x1082;
	s9 =	sld [smem:$0x3FB6]  }
0x2f: {  	lr =	sadd.s32 s0, s3;
	s0 =	sld [smem:$0x3FAD]  }
0x30: {  	s3 =	sld [smem:$0x3FB0]  }
0x31: {  	[smem:$0x3FB9] =	sst s10  }
0x32: {  	s10 =	sld [smem:$0x3FB7];
	_ =	sdelay $0x3  }
0x33: {  	p0 =	seq.s32 s10, $0x1;
	s10 =	sld [smem:$0x3FB9];
	_ =	sdelay $0x3  }
0x34: {  	[smem:$0x3FB9] =	sst s10  }
0x35: {  	s10 =	sld [smem:$0x3FB8];
	_ =	sdelay $0x3  }
0x36: {  	p1 =	seq.s32 s10, $0x1;
	s10 =	sld [smem:$0x3FB9];
	_ =	sdelay $0x3  }
0x37: {  	[smem:$0x3FB9] =	sst s10  }
0x38: {  	s10 =	sld [smem:$0x3FBA]  }
0x39: {  	_ = 	snop;
	(pc) =	sbr.ind lr, $3  }
0x3a: {  	_ = 	snop  }
0x3b: {  	_ = 	snop  }
0x3c: {  	p2 =	seq.s32 s10, $0x1;
	s10 =	sld [smem:$0x3FB9]  }
0x3d: {  	_ =	shalt  }
0x3e: {  	_ =	shalt  }
0x3f: {  	_ =	shalt  }
0x40: {  	_ =	shalt  }
0x41: {  	_ =	shalt  }
0x42: {  	_ =	shalt  }
0x43: {  	_ =	shalt  }
0x44: {  	_ =	shalt  }
0x45: {  	_ =	shalt  }
0x46: {  	_ =	shalt  }
0x47: {  	_ =	shalt  }
0x48: {  	_ =	shalt  }
0x49: {  	_ =	shalt  }
0x4a: {  	_ =	shalt  }
0x4b: {  	_ =	shalt  }
0x4c: {  	_ =	shalt  }
0x4d: {  	_ =	shalt  }
0x4e: {  	_ =	shalt  }
0x4f: {  	_ =	shalt  }
0x50: {  	_ =	shalt  }
0x51: {  	_ =	shalt  }
0x52: {  	_ =	shalt  }
0x53: {  	_ =	shalt  }
0x54: {  	_ =	shalt  }
0x55: {  	_ =	shalt  }
0x56: {  	_ =	shalt  }
0x57: {  	_ =	shalt  }
0x58: {  	_ =	shalt  }
0x59: {  	_ =	shalt  }
0x5a: {  	_ =	shalt  }
0x5b: {  	_ =	shalt  }
0x5c: {  	_ =	shalt  }
0x5d: {  	_ =	shalt  }
0x5e: {  	_ =	shalt  }
0x5f: {  	_ =	shalt  }
0x60: {  	_ =	shalt  }
0x61: {  	_ =	shalt  }
0x62: {  	_ =	shalt  }
0x63: {  	_ =	shalt  }
0x64: {  	_ =	shalt  }
0x65: {  	_ =	shalt  }
0x66: {  	_ =	shalt  }
0x67: {  	_ =	shalt  }
0x68: {  	_ =	shalt  }
0x69: {  	_ =	shalt  }
0x6a: {  	_ =	shalt  }
0x6b: {  	_ =	shalt  }
0x6c: {  	_ =	shalt  }
0x6d: {  	_ =	shalt  }
0x6e: {  	_ =	shalt  }
0x6f: {  	_ =	shalt  }
0x70: {  	_ =	shalt  }
0x71: {  	_ =	shalt  }
0x72: {  	_ =	shalt  }
0x73: {  	_ =	shalt  }
0x74: {  	_ =	shalt  }
0x75: {  	_ =	shalt  }
0x76: {  	_ =	shalt  }
0x77: {  	_ =	shalt  }
0x78: {  	_ =	shalt  }
0x79: {  	_ =	shalt  }
0x7a: {  	_ =	shalt  }
0x7b: {  	_ =	shalt  }
0x7c: {  	_ =	shalt  }
0x7d: {  	_ =	shalt  }
0x7e: {  	_ =	shalt  }
0x7f: {  	_ =	shalt  }
0x80: {  	_ =	shalt  }
0x81: {  	_ =	shalt  }
0x82: {  	_ =	shalt  }
0x83: {  	_ =	shalt  }
0x84: {  	_ =	shalt  }
0x85: {  	_ =	shalt  }
0x86: {  	_ =	shalt  }
0x87: {  	_ =	shalt  }
.Lfunc_end0:
.L_simem_size_0:
called_computation_lowered:
.L_overlay_start_0:
0x88: {  	s2 =	sld [smem:$0x3FD9]  }
0x89: {  	s3 =	sld [smem:$0x3FFE];
	_ =	sdelay $0x1  }
0x8a: {  	s1 =	srdreg.scid  }
0x8b: {  	s0 =	sand.u32 $0x1, s1  }
0x8c: {  	s18 =	sshll.u32 s0, $0xA;
	s2 =	sadd.s32 s3, s2  }
0x8d: {  	s2 =	sadd.s32 s2, s18  }
0x8e: {  	[smem:$0x3FC5] =	sst s2  }
0x8f: {  	_ = 	snop  }
0x90: {  	s2 =	sld [smem:$0x3FC9]  }
0x91: {  	s19 =	sld [smem:$0x3FC8]  }
0x92: {  	s4 =	sld [smem:$0x3FC7]  }
0x93: {  	s5 =	sld [smem:$0x3FD0];
	(tm) =	ssettm $0x1  }
0x94: {  	s6 =	sld [smem:$0x3FFB];
	_ =	sdelay $0x3  }
0x95: {  	_ =	strace s6  }
0x96: {  	s6 =	sld [smem:$0x3FFC];
	_ =	sdelay $0x3  }
0x97: {  	_ =	strace s6  }
0x98: {  	s6 =	sld [smem:$0x3FFD];
	_ =	sdelay $0x3  }
0x99: {  	_ =	strace s6  }
0x9a: {  	_ =	strace $0x8FFFFFFF  }
0x9b: {  	s20 =	sld [smem:$0x3FDB];
	_ =	sdelay $0x1  }
0x9c: {  	s7 =	simm.s32 $_scs_section_size  }
0x9d: {  	s8 =	simm.s32 $_size__tile_overlayer_lowered;
	s9 =	simm.s32 $_tile_overlayer_lowered  }
0x9e: {  	s23 =	simm.s32 $0x1BFF;
	s22 =	sshll.u32 s9, $0x1;
	s6 =	sadd.s32 s7, s20  }
0x9f: {  	s10 =	simm.s32 $0x0;
	s21 =	sshll.u32 s8, $0x1;
	s8 =	sadd.s32 s22, s6  }
0xa0: {  	[timem:s10], [sflag:s23] =	dma.local [hbm:s8], s21  }
0xa1: {  	_ =	swait.ge [sflag:s23], s21  }
0xa2: {  	s7 =	ssub.s32 $0x0, s21;
	[sflag:s23] =	ssyncset.done $0x0  }
0xa3: {  	[sflag:s23] =	ssyncadd.s32 s7;
	_ =	sdelay $0x1  }
0xa4: {  	s24 =	simm.s32 $0x1B8B  }
0xa5: {  	_ =	swait.ge [sflag:s24], $0x1  }
0xa6: {  	[sflag:s24] =	ssyncset.done $0x0  }
0xa7: {  	s25 =	simm.s32 $0x1B8E;
	[sflag:s24] =	ssyncadd.s32 $0xFFFFFFFF  }
0xa8: {  	s26 =	simm.s32 $execute0_lowered;
	[smem:$0x3FD2] =	sst s25  }
0xa9: {  	s7 =	sshll.u32 s26, $0x1;
	_ =	strace $0x80000046;
	[dreg:$0x1] =	wrdreg $0xFFFFFFFF  }
0xaa: {  	s28 =	simm.s32 $_size_execute0_lowered;
	s6 =	sadd.s32 s6, s7;
	[dreg:$0x0] =	wrdreg $0x0  }
0xab: {  	s7 =	sshll.u32 s28, $0x1;
	[dreg:$0x2] =	wrdreg s6  }
0xac: {  	[dreg:$0x3] =	wrdreg s7  }
0xad: {  	[dreg:$0x4] =	wrdreg $0xC0  }
0xae: {  	_ =	task [dreg:s10], $0x5FFFF  }
0xaf: {  	[dreg:$0x1] =	wrdreg $0xFFFFFFFF  }
0xb0: {  	[dreg:$0x0] =	wrdreg $0x60  }
0xb1: {  	[dreg:$0x2] =	wrdreg s2  }
0xb2: {  	[dreg:$0x3] =	wrdreg s19  }
0xb3: {  	[dreg:$0x4] =	wrdreg s4  }
0xb4: {  	[dreg:$0x5] =	wrdreg s5  }
0xb5: {  	[dreg:$0x6] =	wrdreg $0x38800  }
0xb6: {  	[dreg:$0x7] =	wrdreg $0x9  }
0xb7: {  	_ =	task.clear_ibuf [dreg:s10], $0x8FFFF;
	_ =	strace $0x90000046  }
0xb8: {  	s29 =	simm.s32 $0x9;
	_ =	strace $0x80000048  }
0xb9: {  	_ =	swait.ge [sflag:s29], $0x1  }
0xba: {  	[sflag:s29] =	ssyncadd.s32 $0xFFFFFFFF  }
0xbb: {  	_ =	strace $0x90000048  }
0xbc: {  	_ =	sfence  }
0xbd: {  	s30 =	sld [smem:$0x0];
	_ =	sdelay $0x2  }
0xbe: {  	s31 =	sshll.u32 s1, $0xD;
	s1 =	sshrl.u32 s1, $0x2  }
0xbf: {  	s3 =	sand.u32 $0x4000, s31;
	s1 =	sadd.s32 s1, s30  }
0xc0: {  	s0 =	sor.u32 s3, s0;
	s1 =	sshll.u32 s1, $0x11  }
0xc1: {  	s0 =	sor.u32 s1, s0  }
0xc2: {  	s0 =	sadd.s32 $0x8F2B, s0  }
0xc3: {  	[sflag:s0] =	ssyncadd.remote.s32 $0x1  }
0xc4: {  	_ =	sfence.sel $0xFFFF  }
0xc5: {  	[dreg:$0x0] =	wrdreg $0xFFFFFFFF;
	(pc) =	sbr.abs _section_cstart, $3  }
0xc6: {  	[dreg:$0x1] =	wrdreg $0xFFFFFFFF  }
0xc7: {  	_ =	task.clear_ibuf [dreg:s10], $0x2FFFF;
	_ =	strace $0x9FFFFFFF  }
0xc8: {  	(tm) =	ssettm $0x7FFFFFFF  }
0xc9: {  	_ =	shalt  }
tec
execute0_lowered:
.L_overlay_start_1:
0x0: {  	(tag) =	ssettag $0x1  }
0x1: {  	s5 =	rddreg [dreg:$0x0]  }
0x2: {  	s6 =	rddreg [dreg:$0x1]  }
0x3: {  	s1 =	rddreg [dreg:$0x2]  }
0x4: {  	s7 =	rddreg [dreg:$0x3]  }
0x5: {  	s2 =	srdreg.scid;
	[dreg:$0x6] =	wrdreg s1  }
0x6: {  	s3 =	simm.s32 $0x0;
	s4 =	sand.u32 $0x1, s2;
	s2 =	rddreg [dreg:$0x4]  }
0x7: {  	[smem:$0x7FF] =	sst s3;
	s13 =	sadd.s32 $0x1CA70, s6  }
0x8: {  	s16 =	simm.s32 $0x3800;
	_ =	strace $0x80000047;
	[dreg:$0x9] =	wrdreg s13  }
0x9: {  	s17 =	simm.s32 $0x100;
	[dreg:$0xb] =	wrdreg s16  }
0xa: {  	s18 =	simm.s32 $0x180;
	[dreg:$0xf] =	wrdreg s17  }
0xb: {  	s19 =	simm.s32 $0x200;
	[dreg:$0x10] =	wrdreg s18  }
0xc: {  	s20 =	simm.s32 $0x280;
	[dreg:$0x11] =	wrdreg s19  }
0xd: {  	s21 =	simm.s32 $0x300;
	[dreg:$0x12] =	wrdreg s20  }
0xe: {  	s22 =	simm.s32 $0x380;
	[dreg:$0x13] =	wrdreg s21  }
0xf: {  	s23 =	simm.s32 $0x400;
	[dreg:$0x14] =	wrdreg s22  }
0x10: {  	s24 =	simm.s32 $0x480;
	[dreg:$0x15] =	wrdreg s23  }
0x11: {  	s25 =	simm.s32 $0x500;
	[dreg:$0x16] =	wrdreg s24  }
0x12: {  	s26 =	simm.s32 $0x580;
	[dreg:$0x17] =	wrdreg s25  }
0x13: {  	s30 =	simm.s32 $0x600;
	[dreg:$0x18] =	wrdreg s26  }
0x14: {  	s31 =	simm.s32 $0x680;
	[dreg:$0x19] =	wrdreg s30  }
0x15: {  	s1 =	simm.s32 $0x780;
	[dreg:$0x1a] =	wrdreg s31  }
0x16: {  	[dreg:$0x1c] =	wrdreg s1;
	s13 =	simm.s32 $0xB80  }
0x17: {  	s16 =	simm.s32 $0xD00;
	[smem:$0x7BC] =	sst s13  }
0x18: {  	s17 =	simm.s32 $0xD80;
	[smem:$0x7BF] =	sst s16  }
0x19: {  	s18 =	simm.s32 $0xE00;
	[smem:$0x7C0] =	sst s17  }
0x1a: {  	s19 =	simm.s32 $0xE80;
	[smem:$0x7C1] =	sst s18  }
0x1b: {  	s20 =	simm.s32 $0xF00;
	[smem:$0x7C2] =	sst s19  }
0x1c: {  	s21 =	simm.s32 $0xF80;
	[smem:$0x7C3] =	sst s20  }
0x1d: {  	s22 =	simm.s32 $0x1000;
	[smem:$0x7C4] =	sst s21  }
0x1e: {  	s23 =	simm.s32 $0x1080;
	[smem:$0x7C5] =	sst s22  }
0x1f: {  	s24 =	simm.s32 $0x1100;
	[smem:$0x7C6] =	sst s23  }
0x20: {  	s25 =	simm.s32 $0x1180;
	[smem:$0x7C7] =	sst s24  }
0x21: {  	s26 =	simm.s32 $0x1200;
	[smem:$0x7C8] =	sst s25  }
0x22: {  	s30 =	simm.s32 $0x1280;
	[smem:$0x7C9] =	sst s26  }
0x23: {  	s31 =	simm.s32 $0x1300;
	[smem:$0x7CA] =	sst s30  }
0x24: {  	s1 =	simm.s32 $0x1400;
	[smem:$0x7CB] =	sst s31  }
0x25: {  	[smem:$0x7CD] =	sst s1;
	s13 =	simm.s32 $0x1800  }
0x26: {  	s16 =	simm.s32 $0x1980;
	[smem:$0x7D5] =	sst s13  }
0x27: {  	s17 =	simm.s32 $0x1A00;
	[smem:$0x7D8] =	sst s16  }
0x28: {  	s18 =	simm.s32 $0x1A80;
	[smem:$0x7D9] =	sst s17  }
0x29: {  	s19 =	simm.s32 $0x1B00;
	[smem:$0x7DA] =	sst s18  }
0x2a: {  	s20 =	simm.s32 $0x1B80;
	[smem:$0x7DB] =	sst s19  }
0x2b: {  	s21 =	simm.s32 $0x1C00;
	[smem:$0x7DC] =	sst s20  }
0x2c: {  	s22 =	simm.s32 $0x1C80;
	[smem:$0x7DD] =	sst s21  }
0x2d: {  	s23 =	simm.s32 $0x1D00;
	[smem:$0x7DE] =	sst s22  }
0x2e: {  	s24 =	simm.s32 $0x1D80;
	[smem:$0x7DF] =	sst s23  }
0x2f: {  	s0 =	stileid.u32;
	s25 =	simm.s32 $0x1E00;
	[smem:$0x7E0] =	sst s24  }
0x30: {  	s10 =	sshll.u32 s0, $0x1;
	s26 =	simm.s32 $0x1E80;
	[smem:$0x7E1] =	sst s25  }
0x31: {  	s8 =	sor.u32 s4, s10;
	s30 =	simm.s32 $0x1F00;
	[smem:$0x7E2] =	sst s26  }
0x32: {  	s10 =	smul.u32 $0xF480, s0;
	s31 =	simm.s32 $0x1F80;
	[smem:$0x7E3] =	sst s30  }
0x33: {  	s14 =	sshll.u32 s8, $0x6;
	s1 =	simm.s32 $0x2080;
	[smem:$0x7E4] =	sst s31  }
0x34: {  	s11 =	sshrl.u32 s10, $0x3;
	s15 =	sadd.s32 s7, s14;
	[smem:$0x7E6] =	sst s1  }
0x35: {  	s7 =	sadd.s32 s10, s2;
	s10 =	simm.s32 $0xA00;
	[dreg:$0xa] =	wrdreg s15  }
0x36: {  	s14 =	simm.s32 $0xC00;
	[smem:$0x7B9] =	sst s10  }
0x37: {  	s13 =	simm.s32 $0x2480;
	[smem:$0x7BD] =	sst s14  }
0x38: {  	s16 =	simm.s32 $0x2600;
	[smem:$0x7EE] =	sst s13  }
0x39: {  	s17 =	simm.s32 $0x2680;
	[smem:$0x7F1] =	sst s16  }
0x3a: {  	s18 =	simm.s32 $0x2700;
	[smem:$0x7F2] =	sst s17  }
0x3b: {  	s19 =	simm.s32 $0x2780;
	[smem:$0x7F3] =	sst s18  }
0x3c: {  	s20 =	simm.s32 $0x2800;
	[smem:$0x7F4] =	sst s19  }
0x3d: {  	s21 =	simm.s32 $0x2880;
	[smem:$0x7F5] =	sst s20  }
0x3e: {  	s23 =	simm.s32 $0x2900;
	[smem:$0x7F6] =	sst s21  }
0x3f: {  	s24 =	simm.s32 $0x2980;
	[smem:$0x7F7] =	sst s23  }
0x40: {  	s25 =	simm.s32 $0x2A00;
	[smem:$0x7F8] =	sst s24  }
0x41: {  	s26 =	simm.s32 $0x2A80;
	[smem:$0x7F9] =	sst s25  }
0x42: {  	s9 =	smul.u32 $0x680, s8;
	s30 =	simm.s32 $0x2B00;
	[smem:$0x7FA] =	sst s26  }
0x43: {  	s31 =	simm.s32 $0x2B80;
	[smem:$0x7FB] =	sst s30  }
0x44: {  	s5 =	sadd.s32 s5, s9;
	[smem:$0x7FC] =	sst s31  }
0x45: {  	p0 =	seq.s32 s0, $0xF;
	s12 =	sadd.s32 s6, s11;
	[dreg:$0x7] =	wrdreg s5  }
0x46: {  	s6 =	sshll.u32 @!p0 s0, $0x6;
	s0 =	simm.s32 $0x700;
	[dreg:$0x8] =	wrdreg s12  }
0x47: {  	s9 =	simm.s32 $0x980;
	[dreg:$0x1b] =	wrdreg s0  }
0x48: {  	s11 =	simm.s32 $0xA80;
	[smem:$0x7B8] =	sst s9  }
0x49: {  	s15 =	simm.s32 $0xC80;
	[smem:$0x7BA] =	sst s11  }
0x4a: {  	s10 =	simm.s32 $0x1680;
	[smem:$0x7BE] =	sst s15  }
0x4b: {  	s8 =	sadd.s32 $0xE5380, s2;
	s14 =	simm.s32 $0x1880;
	[smem:$0x7D2] =	sst s10  }
0x4c: {  	s28 =	simm.s32 $0x3600;
	s5 =	sshrl.u32 @p0 s8, $0x3;
	[smem:$0x7D6] =	sst s14  }
0x4d: {  	s29 =	simm.s32 $0x3;
	s8 =	simm.s32 $0x900;
	[dreg:$0xe] =	wrdreg s5  }
0x4e: {  	s4 =	ssub.s32 $0x2, s4;
	s12 =	simm.s32 $0xB00;
	[dreg:$0x1f] =	wrdreg s8  }
0x4f: {  	s22 =	sshrl.u32 s4, $0x1;
	s0 =	simm.s32 $0x1380;
	[smem:$0x7BB] =	sst s12  }
0x50: {  	s4 =	ssub.s32 s4, s22;
	s9 =	simm.s32 $0x1600;
	[smem:$0x7CC] =	sst s0  }
0x51: {  	s13 =	simm.s32 $0x2D80;
	s11 =	simm.s32 $0x1700;
	[smem:$0x7D1] =	sst s9  }
0x52: {  	s16 =	simm.s32 $0x2F00;
	s15 =	simm.s32 $0x1900;
	[smem:$0x7D3] =	sst s11  }
0x53: {  	s17 =	simm.s32 $0x2F80;
	s10 =	simm.s32 $0x2300;
	[smem:$0x7D7] =	sst s15  }
0x54: {  	s18 =	simm.s32 $0x3000;
	s14 =	simm.s32 $0x2500;
	[smem:$0x7EB] =	sst s10  }
0x55: {  	s19 =	simm.s32 $0x3080;
	s5 =	sor.u32 @!p0 $0x1C03, s6;
	[smem:$0x7EF] =	sst s14  }
0x56: {  	s20 =	simm.s32 $0x3100;
	s6 =	simm.s32 $0x800;
	[dreg:$0xc] =	wrdreg s5  }
0x57: {  	s21 =	simm.s32 $0x3180;
	s8 =	simm.s32 $0x1580;
	[dreg:$0x1d] =	wrdreg s6  }
0x58: {  	s22 =	simm.s32 $0x3200;
	s12 =	simm.s32 $0x1780;
	[smem:$0x7D0] =	sst s8  }
0x59: {  	s23 =	simm.s32 $0x3280;
	s0 =	simm.s32 $0x2000;
	[smem:$0x7D4] =	sst s12  }
0x5a: {  	s24 =	simm.s32 $0x3300;
	s9 =	simm.s32 $0x2280;
	[smem:$0x7E5] =	sst s0  }
0x5b: {  	s25 =	simm.s32 $0x3380;
	s11 =	simm.s32 $0x2380;
	[smem:$0x7EA] =	sst s9  }
0x5c: {  	s26 =	simm.s32 $0x1;
	s15 =	simm.s32 $0x2580;
	[smem:$0x7EC] =	sst s11  }
0x5d: {  	s4 =	smax.u32 s4, $0x1;
	s5 =	sshrl.u32 @!p0 s7, $0x3;
	[smem:$0x7F0] =	sst s15  }
0x5e: {  	s10 =	simm.s32 $0x3580;
	s7 =	simm.s32 $0x880;
	[dreg:$0xd] =	wrdreg s5  }
0x5f: {  	s14 =	simm.s32 $0x2E00;
	s6 =	simm.s32 $0x1480;
	[dreg:$0x1e] =	wrdreg s7  }
0x60: {  	s8 =	simm.s32 $0x2200;
	s12 =	simm.s32 $0x2400;
	[smem:$0x7CE] =	sst s6  }
0x61: {  	s11 =	simm.s32 $0x2C00;
	s9 =	simm.s32 $0x3500;
	[smem:$0x7E9] =	sst s8  }
0x62: {  	s15 =	simm.s32 $0x2E80;
	s7 =	simm.s32 $0x1500;
	[smem:$0x7ED] =	sst s12  }
0x63: {  	s6 =	simm.s32 $0x2100;
	s5 =	simm.s32 $0x2;
	[smem:$0x7FD] =	sst s11  }
0x64: {  	s8 =	simm.s32 $0x3480;
	s11 =	simm.s32 $0x2C80;
	[smem:$0x7CF] =	sst s7  }
0x65: {  	s12 =	simm.s32 $0x2D00;
	[smem:$0x7E7] =	sst s6;
	s7 =	simm.s32 $0x2180  }
0x66: {  	v0 =	vimm.f32 $0.0e+00;
	s6 =	simm.s32 $0x80;
	[smem:$0x7E8] =	sst s7;
	s7 =	simm.s32 $0x3400  }
.LBB2_1:
0x67: {  	s30 =	rddreg [dreg:$0x7]  }
0x68: {  	s31 =	rddreg [dreg:$0x6]  }
0x69: {  	[tilespmem:s3], [sflag:$0x2] =	stream.linear.gather [hbm4b:s30+s3], $0x3400, $0x38;
	[tilespmem:$0x12CA8] =	vst v63  }
0x6a: {  	s1 =	rddreg [dreg:$0xb]  }
0x6b: {  	[tilespmem:s1], [sflag:$0x2] =	stream.linear.gather [hbm4b:s31+s3], $0x80, $0x38;
	[tilespmem:$0x12CA8] =	vst v63  }
0x6c: {  	[tilespmem:$0x3400] =	vst v0  }
0x6d: {  	[tilespmem:$0x3410] =	vst v0  }
0x6e: {  	[tilespmem:$0x3420] =	vst v0  }
0x6f: {  	[tilespmem:$0x3430] =	vst v0  }
0x70: {  	[tilespmem:$0x3440] =	vst v0  }
0x71: {  	[tilespmem:$0x3450] =	vst v0  }
0x72: {  	[tilespmem:$0x3460] =	vst v0  }
0x73: {  	[tilespmem:$0x3470] =	vst v0  }
0x74: {  	[tilespmem:$0x3480] =	vst v0  }
0x75: {  	[tilespmem:$0x3490] =	vst v0  }
0x76: {  	[tilespmem:$0x34A0] =	vst v0  }
0x77: {  	[tilespmem:$0x34B0] =	vst v0  }
0x78: {  	[tilespmem:$0x34C0] =	vst v0  }
0x79: {  	[tilespmem:$0x34D0] =	vst v0  }
0x7a: {  	[tilespmem:$0x34E0] =	vst v0  }
0x7b: {  	[tilespmem:$0x34F0] =	vst v0  }
0x7c: {  	[tilespmem:$0x3500] =	vst v0  }
0x7d: {  	[tilespmem:$0x3510] =	vst v0  }
0x7e: {  	[tilespmem:$0x3520] =	vst v0  }
0x7f: {  	[tilespmem:$0x3530] =	vst v0  }
0x80: {  	[tilespmem:$0x3540] =	vst v0  }
0x81: {  	[tilespmem:$0x3550] =	vst v0  }
0x82: {  	[tilespmem:$0x3560] =	vst v0  }
0x83: {  	[tilespmem:$0x3570] =	vst v0  }
0x84: {  	[tilespmem:$0x3580] =	vst v0  }
0x85: {  	[tilespmem:$0x3590] =	vst v0  }
0x86: {  	[tilespmem:$0x35A0] =	vst v0  }
0x87: {  	[tilespmem:$0x35B0] =	vst v0  }
0x88: {  	[tilespmem:$0x35C0] =	vst v0  }
0x89: {  	[tilespmem:$0x35D0] =	vst v0  }
0x8a: {  	s30 =	rddreg [dreg:$0xe];
	[tilespmem:$0x35E0] =	vst v0  }
0x8b: {  	s1 =	rddreg [dreg:$0x9];
	s31 =	simm.s32 @p0 $0x1FC3;
	[tilespmem:$0x35F0] =	vst v0  }
0x8c: {  	[spmem:s30], [sflag:s31] =	dma.local @p0 [hbm:s1], $0x1DE0  }
0x8d: {  	s1 =	simm.s32 @p0 $0x3  }
0x8e: {  	_ =	swait.ge @p0 [sflag:s1], $0x1DE0  }
0x8f: {  	s30 =	rddreg [dreg:$0x8]  }
0x90: {  	s31 =	rddreg [dreg:$0xc];
	[sflag:s1] =	ssyncset.done @p0 $0x0  }
0x91: {  	s0 =	rddreg [dreg:$0xd];
	[sflag:s1] =	ssyncadd.s32 @p0 $0xFFFFE220  }
0x92: {  	[spmem:s0], [sflag:s31] =	dma.local @!p0 [hbm:s30], $0x1E90  }
0x93: {  	s0 =	simm.s32 @!p0 $0x3  }
0x94: {  	_ =	swait.ge @!p0 [sflag:s0], $0x1E90  }
0x95: {  	[sflag:s0] =	ssyncset.done @!p0 $0x0  }
0x96: {  	[sflag:s0] =	ssyncadd.s32 @!p0 $0xFFFFE170  }
0x97: {  	[bflag:$0x0] =	sbarrier.arrive $0xFFFF  }
0x98: {  	_ =	swait.ge [sflag:s5], $0x3400  }
0x99: {  	[sflag:s5] =	ssyncset.done $0x0  }
0x9a: {  	[sflag:s5] =	ssyncadd.s32 $0xFFFFCC00  }
0x9b: {  	_ =	swait.ge [sflag:s5], $0x80  }
0x9c: {  	[sflag:s5] =	ssyncset.done $0x0  }
0x9d: {  	[sflag:s5] =	ssyncadd.s32 $0xFFFFFF80  }
0x9e: {  	[tilespmem:s7], [sflag:$0x1] =	stream.indirect.gather.add.f32 [spmem:s2], $0x1, s3, s6, $0xb8;
	[tilespmem:$0x12CA8] =	vst v63  }
0x9f: {  	s30 =	rddreg [dreg:$0xf]  }
0xa0: {  	[tilespmem:s8], [sflag:$0x1] =	stream.indirect.gather.add.f32 [spmem:s2], $0x1, s6, s6, $0xb8;
	[tilespmem:$0x12CA8] =	vst v63  }
0xa1: {  	s31 =	rddreg [dreg:$0x10]  }
0xa2: {  	[tilespmem:s9], [sflag:$0x1] =	stream.indirect.gather.add.f32 [spmem:s2], $0x1, s30, s6, $0xb8;
	[tilespmem:$0x12CA8] =	vst v63  }
0xa3: {  	s30 =	rddreg [dreg:$0x11]  }
0xa4: {  	[tilespmem:s10], [sflag:$0x1] =	stream.indirect.gather.add.f32 [spmem:s2], $0x1, s31, s6, $0xb8;
	[tilespmem:$0x12CA8] =	vst v63  }
0xa5: {  	s31 =	rddreg [dreg:$0x12]  }
0xa6: {  	[tilespmem:s7], [sflag:$0x1] =	stream.indirect.gather.add.f32 [spmem:s2], $0x1, s30, s6, $0xb8;
	[tilespmem:$0x12CA8] =	vst v63  }
0xa7: {  	s30 =	rddreg [dreg:$0x13]  }
0xa8: {  	[tilespmem:s8], [sflag:$0x1] =	stream.indirect.gather.add.f32 [spmem:s2], $0x1, s31, s6, $0xb8;
	[tilespmem:$0x12CA8] =	vst v63  }
0xa9: {  	s31 =	rddreg [dreg:$0x14]  }
0xaa: {  	[tilespmem:s9], [sflag:$0x1] =	stream.indirect.gather.add.f32 [spmem:s2], $0x1, s30, s6, $0xb8;
	[tilespmem:$0x12CA8] =	vst v63  }
0xab: {  	s30 =	rddreg [dreg:$0x15]  }
0xac: {  	[tilespmem:s10], [sflag:$0x1] =	stream.indirect.gather.add.f32 [spmem:s2], $0x1, s31, s6, $0xb8;
	[tilespmem:$0x12CA8] =	vst v63  }
0xad: {  	s31 =	rddreg [dreg:$0x16]  }
0xae: {  	[tilespmem:s7], [sflag:$0x1] =	stream.indirect.gather.add.f32 [spmem:s2], $0x1, s30, s6, $0xb8;
	[tilespmem:$0x12CA8] =	vst v63  }
0xaf: {  	s30 =	rddreg [dreg:$0x17]  }
0xb0: {  	[tilespmem:s8], [sflag:$0x1] =	stream.indirect.gather.add.f32 [spmem:s2], $0x1, s31, s6, $0xb8;
	[tilespmem:$0x12CA8] =	vst v63  }
0xb1: {  	s31 =	rddreg [dreg:$0x18]  }
0xb2: {  	[tilespmem:s9], [sflag:$0x1] =	stream.indirect.gather.add.f32 [spmem:s2], $0x1, s30, s6, $0xb8;
	[tilespmem:$0x12CA8] =	vst v63  }
0xb3: {  	s30 =	rddreg [dreg:$0x19]  }
0xb4: {  	[tilespmem:s10], [sflag:$0x1] =	stream.indirect.gather.add.f32 [spmem:s2], $0x1, s31, s6, $0xb8;
	[tilespmem:$0x12CA8] =	vst v63  }
0xb5: {  	s31 =	rddreg [dreg:$0x1a]  }
0xb6: {  	[tilespmem:s7], [sflag:$0x1] =	stream.indirect.gather.add.f32 [spmem:s2], $0x1, s30, s6, $0xb8;
	[tilespmem:$0x12CA8] =	vst v63  }
0xb7: {  	s30 =	rddreg [dreg:$0x1b]  }
0xb8: {  	[tilespmem:s8], [sflag:$0x1] =	stream.indirect.gather.add.f32 [spmem:s2], $0x1, s31, s6, $0xb8;
	[tilespmem:$0x12CA8] =	vst v63  }
0xb9: {  	s31 =	rddreg [dreg:$0x1c]  }
0xba: {  	[tilespmem:s9], [sflag:$0x1] =	stream.indirect.gather.add.f32 [spmem:s2], $0x1, s30, s6, $0xb8;
	[tilespmem:$0x12CA8] =	vst v63  }
0xbb: {  	s30 =	rddreg [dreg:$0x1d]  }
0xbc: {  	[tilespmem:s10], [sflag:$0x1] =	stream.indirect.gather.add.f32 [spmem:s2], $0x1, s31, s6, $0xb8;
	[tilespmem:$0x12CA8] =	vst v63  }
0xbd: {  	s31 =	rddreg [dreg:$0x1e]  }
0xbe: {  	[tilespmem:s7], [sflag:$0x1] =	stream.indirect.gather.add.f32 [spmem:s2], $0x1, s30, s6, $0xb8;
	[tilespmem:$0x12CA8] =	vst v63  }
0xbf: {  	s30 =	rddreg [dreg:$0x1f]  }
0xc0: {  	[tilespmem:s8], [sflag:$0x1] =	stream.indirect.gather.add.f32 [spmem:s2], $0x1, s31, s6, $0xb8;
	[tilespmem:$0x12CA8] =	vst v63  }
0xc1: {  	s31 =	sld [smem:$0x7B8]  }
0xc2: {  	[tilespmem:s9], [sflag:$0x1] =	stream.indirect.gather.add.f32 [spmem:s2], $0x1, s30, s6, $0xb8;
	[tilespmem:$0x12CA8] =	vst v63  }
0xc3: {  	s30 =	sld [smem:$0x7B9]  }
0xc4: {  	[tilespmem:s10], [sflag:$0x1] =	stream.indirect.gather.add.f32 [spmem:s2], $0x1, s31, s6, $0xb8;
	[tilespmem:$0x12CA8] =	vst v63  }
0xc5: {  	s31 =	sld [smem:$0x7BA]  }
0xc6: {  	[tilespmem:s7], [sflag:$0x1] =	stream.indirect.gather.add.f32 [spmem:s2], $0x1, s30, s6, $0xb8;
	[tilespmem:$0x12CA8] =	vst v63  }
0xc7: {  	s30 =	sld [smem:$0x7BB]  }
0xc8: {  	[tilespmem:s8], [sflag:$0x1] =	stream.indirect.gather.add.f32 [spmem:s2], $0x1, s31, s6, $0xb8;
	[tilespmem:$0x12CA8] =	vst v63  }
0xc9: {  	s31 =	sld [smem:$0x7BC]  }
0xca: {  	[tilespmem:s9], [sflag:$0x1] =	stream.indirect.gather.add.f32 [spmem:s2], $0x1, s30, s6, $0xb8;
	[tilespmem:$0x12CA8] =	vst v63  }
0xcb: {  	s30 =	sld [smem:$0x7BD]  }
0xcc: {  	[tilespmem:s10], [sflag:$0x1] =	stream.indirect.gather.add.f32 [spmem:s2], $0x1, s31, s6, $0xb8;
	[tilespmem:$0x12CA8] =	vst v63  }
0xcd: {  	s31 =	sld [smem:$0x7BE]  }
0xce: {  	[tilespmem:s7], [sflag:$0x1] =	stream.indirect.gather.add.f32 [spmem:s2], $0x1, s30, s6, $0xb8;
	[tilespmem:$0x12CA8] =	vst v63  }
0xcf: {  	s30 =	sld [smem:$0x7BF]  }
0xd0: {  	[tilespmem:s8], [sflag:$0x1] =	stream.indirect.gather.add.f32 [spmem:s2], $0x1, s31, s6, $0xb8;
	[tilespmem:$0x12CA8] =	vst v63  }
0xd1: {  	s31 =	sld [smem:$0x7C0]  }
0xd2: {  	[tilespmem:s9], [sflag:$0x1] =	stream.indirect.gather.add.f32 [spmem:s2], $0x1, s30, s6, $0xb8;
	[tilespmem:$0x12CA8] =	vst v63  }
0xd3: {  	s30 =	sld [smem:$0x7C1]  }
0xd4: {  	[tilespmem:s10], [sflag:$0x1] =	stream.indirect.gather.add.f32 [spmem:s2], $0x1, s31, s6, $0xb8;
	[tilespmem:$0x12CA8] =	vst v63  }
0xd5: {  	s31 =	sld [smem:$0x7C2]  }
0xd6: {  	[tilespmem:s7], [sflag:$0x1] =	stream.indirect.gather.add.f32 [spmem:s2], $0x1, s30, s6, $0xb8;
	[tilespmem:$0x12CA8] =	vst v63  }
0xd7: {  	s30 =	sld [smem:$0x7C3]  }
0xd8: {  	[tilespmem:s8], [sflag:$0x1] =	stream.indirect.gather.add.f32 [spmem:s2], $0x1, s31, s6, $0xb8;
	[tilespmem:$0x12CA8] =	vst v63  }
0xd9: {  	s31 =	sld [smem:$0x7C4]  }
0xda: {  	[tilespmem:s9], [sflag:$0x1] =	stream.indirect.gather.add.f32 [spmem:s2], $0x1, s30, s6, $0xb8;
	[tilespmem:$0x12CA8] =	vst v63  }
0xdb: {  	s30 =	sld [smem:$0x7C5]  }
0xdc: {  	[tilespmem:s10], [sflag:$0x1] =	stream.indirect.gather.add.f32 [spmem:s2], $0x1, s31, s6, $0xb8;
	[tilespmem:$0x12CA8] =	vst v63  }
0xdd: {  	s31 =	sld [smem:$0x7C6]  }
0xde: {  	[tilespmem:s7], [sflag:$0x1] =	stream.indirect.gather.add.f32 [spmem:s2], $0x1, s30, s6, $0xb8;
	[tilespmem:$0x12CA8] =	vst v63  }
0xdf: {  	s30 =	sld [smem:$0x7C7]  }
0xe0: {  	[tilespmem:s8], [sflag:$0x1] =	stream.indirect.gather.add.f32 [spmem:s2], $0x1, s31, s6, $0xb8;
	[tilespmem:$0x12CA8] =	vst v63  }
0xe1: {  	s31 =	sld [smem:$0x7C8]  }
0xe2: {  	[tilespmem:s9], [sflag:$0x1] =	stream.indirect.gather.add.f32 [spmem:s2], $0x1, s30, s6, $0xb8;
	[tilespmem:$0x12CA8] =	vst v63  }
0xe3: {  	s30 =	sld [smem:$0x7C9]  }
0xe4: {  	[tilespmem:s10], [sflag:$0x1] =	stream.indirect.gather.add.f32 [spmem:s2], $0x1, s31, s6, $0xb8;
	[tilespmem:$0x12CA8] =	vst v63  }
0xe5: {  	s31 =	sld [smem:$0x7CA]  }
0xe6: {  	[tilespmem:s7], [sflag:$0x1] =	stream.indirect.gather.add.f32 [spmem:s2], $0x1, s30, s6, $0xb8;
	[tilespmem:$0x12CA8] =	vst v63  }
0xe7: {  	s30 =	sld [smem:$0x7CB]  }
0xe8: {  	[tilespmem:s8], [sflag:$0x1] =	stream.indirect.gather.add.f32 [spmem:s2], $0x1, s31, s6, $0xb8;
	[tilespmem:$0x12CA8] =	vst v63  }
0xe9: {  	s31 =	sld [smem:$0x7CC]  }
0xea: {  	[tilespmem:s9], [sflag:$0x1] =	stream.indirect.gather.add.f32 [spmem:s2], $0x1, s30, s6, $0xb8;
	[tilespmem:$0x12CA8] =	vst v63  }
0xeb: {  	s30 =	sld [smem:$0x7CD]  }
0xec: {  	[tilespmem:s10], [sflag:$0x1] =	stream.indirect.gather.add.f32 [spmem:s2], $0x1, s31, s6, $0xb8;
	[tilespmem:$0x12CA8] =	vst v63  }
0xed: {  	s31 =	sld [smem:$0x7CE]  }
0xee: {  	[tilespmem:s7], [sflag:$0x1] =	stream.indirect.gather.add.f32 [spmem:s2], $0x1, s30, s6, $0xb8;
	[tilespmem:$0x12CA8] =	vst v63  }
0xef: {  	s30 =	sld [smem:$0x7CF]  }
0xf0: {  	[tilespmem:s8], [sflag:$0x1] =	stream.indirect.gather.add.f32 [spmem:s2], $0x1, s31, s6, $0xb8;
	[tilespmem:$0x12CA8] =	vst v63  }
0xf1: {  	s31 =	sld [smem:$0x7D0]  }
0xf2: {  	[tilespmem:s9], [sflag:$0x1] =	stream.indirect.gather.add.f32 [spmem:s2], $0x1, s30, s6, $0xb8;
	[tilespmem:$0x12CA8] =	vst v63  }
0xf3: {  	s30 =	sld [smem:$0x7D1]  }
0xf4: {  	[tilespmem:s10], [sflag:$0x1] =	stream.indirect.gather.add.f32 [spmem:s2], $0x1, s31, s6, $0xb8;
	[tilespmem:$0x12CA8] =	vst v63  }
0xf5: {  	s31 =	sld [smem:$0x7D2]  }
0xf6: {  	[tilespmem:s7], [sflag:$0x1] =	stream.indirect.gather.add.f32 [spmem:s2], $0x1, s30, s6, $0xb8;
	[tilespmem:$0x12CA8] =	vst v63  }
0xf7: {  	s30 =	sld [smem:$0x7D3]  }
0xf8: {  	[tilespmem:s8], [sflag:$0x1] =	stream.indirect.gather.add.f32 [spmem:s2], $0x1, s31, s6, $0xb8;
	[tilespmem:$0x12CA8] =	vst v63  }
0xf9: {  	s31 =	sld [smem:$0x7D4]  }
0xfa: {  	[tilespmem:s9], [sflag:$0x1] =	stream.indirect.gather.add.f32 [spmem:s2], $0x1, s30, s6, $0xb8;
	[tilespmem:$0x12CA8] =	vst v63  }
0xfb: {  	s30 =	sld [smem:$0x7D5]  }
0xfc: {  	[tilespmem:s10], [sflag:$0x1] =	stream.indirect.gather.add.f32 [spmem:s2], $0x1, s31, s6, $0xb8;
	[tilespmem:$0x12CA8] =	vst v63  }
0xfd: {  	s31 =	sld [smem:$0x7D6]  }
0xfe: {  	[tilespmem:s7], [sflag:$0x1] =	stream.indirect.gather.add.f32 [spmem:s2], $0x1, s30, s6, $0xb8;
	[tilespmem:$0x12CA8] =	vst v63  }
0xff: {  	s30 =	sld [smem:$0x7D7]  }
0x100: {  	[tilespmem:s8], [sflag:$0x1] =	stream.indirect.gather.add.f32 [spmem:s2], $0x1, s31, s6, $0xb8;
	[tilespmem:$0x12CA8] =	vst v63  }
0x101: {  	s31 =	sld [smem:$0x7D8]  }
0x102: {  	[tilespmem:s9], [sflag:$0x1] =	stream.indirect.gather.add.f32 [spmem:s2], $0x1, s30, s6, $0xb8;
	[tilespmem:$0x12CA8] =	vst v63  }
0x103: {  	s30 =	sld [smem:$0x7D9]  }
0x104: {  	[tilespmem:s10], [sflag:$0x1] =	stream.indirect.gather.add.f32 [spmem:s2], $0x1, s31, s6, $0xb8;
	[tilespmem:$0x12CA8] =	vst v63  }
0x105: {  	s31 =	sld [smem:$0x7DA]  }
0x106: {  	[tilespmem:s7], [sflag:$0x1] =	stream.indirect.gather.add.f32 [spmem:s2], $0x1, s30, s6, $0xb8;
	[tilespmem:$0x12CA8] =	vst v63  }
0x107: {  	s30 =	sld [smem:$0x7DB]  }
0x108: {  	[tilespmem:s8], [sflag:$0x1] =	stream.indirect.gather.add.f32 [spmem:s2], $0x1, s31, s6, $0xb8;
	[tilespmem:$0x12CA8] =	vst v63  }
0x109: {  	s31 =	sld [smem:$0x7DC]  }
0x10a: {  	[tilespmem:s9], [sflag:$0x1] =	stream.indirect.gather.add.f32 [spmem:s2], $0x1, s30, s6, $0xb8;
	[tilespmem:$0x12CA8] =	vst v63  }
0x10b: {  	s30 =	sld [smem:$0x7DD]  }
0x10c: {  	[tilespmem:s10], [sflag:$0x1] =	stream.indirect.gather.add.f32 [spmem:s2], $0x1, s31, s6, $0xb8;
	[tilespmem:$0x12CA8] =	vst v63  }
0x10d: {  	s31 =	sld [smem:$0x7DE]  }
0x10e: {  	[tilespmem:s7], [sflag:$0x1] =	stream.indirect.gather.add.f32 [spmem:s2], $0x1, s30, s6, $0xb8;
	[tilespmem:$0x12CA8] =	vst v63  }
0x10f: {  	s30 =	sld [smem:$0x7DF]  }
0x110: {  	[tilespmem:s8], [sflag:$0x1] =	stream.indirect.gather.add.f32 [spmem:s2], $0x1, s31, s6, $0xb8;
	[tilespmem:$0x12CA8] =	vst v63  }
0x111: {  	s31 =	sld [smem:$0x7E0]  }
0x112: {  	[tilespmem:s9], [sflag:$0x1] =	stream.indirect.gather.add.f32 [spmem:s2], $0x1, s30, s6, $0xb8;
	[tilespmem:$0x12CA8] =	vst v63  }
0x113: {  	s30 =	sld [smem:$0x7E1]  }
0x114: {  	[tilespmem:s10], [sflag:$0x1] =	stream.indirect.gather.add.f32 [spmem:s2], $0x1, s31, s6, $0xb8;
	[tilespmem:$0x12CA8] =	vst v63  }
0x115: {  	s31 =	sld [smem:$0x7E2]  }
0x116: {  	[tilespmem:s7], [sflag:$0x1] =	stream.indirect.gather.add.f32 [spmem:s2], $0x1, s30, s6, $0xb8;
	[tilespmem:$0x12CA8] =	vst v63  }
0x117: {  	s30 =	sld [smem:$0x7E3]  }
0x118: {  	[tilespmem:s8], [sflag:$0x1] =	stream.indirect.gather.add.f32 [spmem:s2], $0x1, s31, s6, $0xb8;
	[tilespmem:$0x12CA8] =	vst v63  }
0x119: {  	s31 =	sld [smem:$0x7E4]  }
0x11a: {  	[tilespmem:s9], [sflag:$0x1] =	stream.indirect.gather.add.f32 [spmem:s2], $0x1, s30, s6, $0xb8;
	[tilespmem:$0x12CA8] =	vst v63  }
0x11b: {  	s30 =	sld [smem:$0x7E5]  }
0x11c: {  	[tilespmem:s10], [sflag:$0x1] =	stream.indirect.gather.add.f32 [spmem:s2], $0x1, s31, s6, $0xb8;
	[tilespmem:$0x12CA8] =	vst v63  }
0x11d: {  	s31 =	sld [smem:$0x7E6]  }
0x11e: {  	[tilespmem:s7], [sflag:$0x1] =	stream.indirect.gather.add.f32 [spmem:s2], $0x1, s30, s6, $0xb8;
	[tilespmem:$0x12CA8] =	vst v63  }
0x11f: {  	s30 =	sld [smem:$0x7E7]  }
0x120: {  	[tilespmem:s8], [sflag:$0x1] =	stream.indirect.gather.add.f32 [spmem:s2], $0x1, s31, s6, $0xb8;
	[tilespmem:$0x12CA8] =	vst v63  }
0x121: {  	s31 =	sld [smem:$0x7E8]  }
0x122: {  	[tilespmem:s9], [sflag:$0x1] =	stream.indirect.gather.add.f32 [spmem:s2], $0x1, s30, s6, $0xb8;
	[tilespmem:$0x12CA8] =	vst v63  }
0x123: {  	s30 =	sld [smem:$0x7E9]  }
0x124: {  	[tilespmem:s10], [sflag:$0x1] =	stream.indirect.gather.add.f32 [spmem:s2], $0x1, s31, s6, $0xb8;
	[tilespmem:$0x12CA8] =	vst v63  }
0x125: {  	s31 =	sld [smem:$0x7EA]  }
0x126: {  	[tilespmem:s7], [sflag:$0x1] =	stream.indirect.gather.add.f32 [spmem:s2], $0x1, s30, s6, $0xb8;
	[tilespmem:$0x12CA8] =	vst v63  }
0x127: {  	s30 =	sld [smem:$0x7EB]  }
0x128: {  	[tilespmem:s8], [sflag:$0x1] =	stream.indirect.gather.add.f32 [spmem:s2], $0x1, s31, s6, $0xb8;
	[tilespmem:$0x12CA8] =	vst v63  }
0x129: {  	s31 =	sld [smem:$0x7EC]  }
0x12a: {  	[tilespmem:s9], [sflag:$0x1] =	stream.indirect.gather.add.f32 [spmem:s2], $0x1, s30, s6, $0xb8;
	[tilespmem:$0x12CA8] =	vst v63  }
0x12b: {  	s30 =	sld [smem:$0x7ED]  }
0x12c: {  	[tilespmem:s10], [sflag:$0x1] =	stream.indirect.gather.add.f32 [spmem:s2], $0x1, s31, s6, $0xb8;
	[tilespmem:$0x12CA8] =	vst v63  }
0x12d: {  	s31 =	sld [smem:$0x7EE]  }
0x12e: {  	[tilespmem:s7], [sflag:$0x1] =	stream.indirect.gather.add.f32 [spmem:s2], $0x1, s30, s6, $0xb8;
	[tilespmem:$0x12CA8] =	vst v63  }
0x12f: {  	s30 =	sld [smem:$0x7EF]  }
0x130: {  	[tilespmem:s8], [sflag:$0x1] =	stream.indirect.gather.add.f32 [spmem:s2], $0x1, s31, s6, $0xb8;
	[tilespmem:$0x12CA8] =	vst v63  }
0x131: {  	s31 =	sld [smem:$0x7F0]  }
0x132: {  	[tilespmem:s9], [sflag:$0x1] =	stream.indirect.gather.add.f32 [spmem:s2], $0x1, s30, s6, $0xb8;
	[tilespmem:$0x12CA8] =	vst v63  }
0x133: {  	s30 =	sld [smem:$0x7F1]  }
0x134: {  	[tilespmem:s10], [sflag:$0x1] =	stream.indirect.gather.add.f32 [spmem:s2], $0x1, s31, s6, $0xb8;
	[tilespmem:$0x12CA8] =	vst v63  }
0x135: {  	s31 =	sld [smem:$0x7F2]  }
0x136: {  	[tilespmem:s7], [sflag:$0x1] =	stream.indirect.gather.add.f32 [spmem:s2], $0x1, s30, s6, $0xb8;
	[tilespmem:$0x12CA8] =	vst v63  }
0x137: {  	s30 =	sld [smem:$0x7F3]  }
0x138: {  	[tilespmem:s8], [sflag:$0x1] =	stream.indirect.gather.add.f32 [spmem:s2], $0x1, s31, s6, $0xb8;
	[tilespmem:$0x12CA8] =	vst v63  }
0x139: {  	s31 =	sld [smem:$0x7F4]  }
0x13a: {  	[tilespmem:s9], [sflag:$0x1] =	stream.indirect.gather.add.f32 [spmem:s2], $0x1, s30, s6, $0xb8;
	[tilespmem:$0x12CA8] =	vst v63  }
0x13b: {  	s30 =	sld [smem:$0x7F5]  }
0x13c: {  	[tilespmem:s10], [sflag:$0x1] =	stream.indirect.gather.add.f32 [spmem:s2], $0x1, s31, s6, $0xb8;
	[tilespmem:$0x12CA8] =	vst v63  }
0x13d: {  	s31 =	sld [smem:$0x7F6]  }
0x13e: {  	[tilespmem:s7], [sflag:$0x1] =	stream.indirect.gather.add.f32 [spmem:s2], $0x1, s30, s6, $0xb8;
	[tilespmem:$0x12CA8] =	vst v63  }
0x13f: {  	s30 =	sld [smem:$0x7F7]  }
0x140: {  	[tilespmem:s8], [sflag:$0x1] =	stream.indirect.gather.add.f32 [spmem:s2], $0x1, s31, s6, $0xb8;
	[tilespmem:$0x12CA8] =	vst v63  }
0x141: {  	s31 =	sld [smem:$0x7F8]  }
0x142: {  	[tilespmem:s9], [sflag:$0x1] =	stream.indirect.gather.add.f32 [spmem:s2], $0x1, s30, s6, $0xb8;
	[tilespmem:$0x12CA8] =	vst v63  }
0x143: {  	s30 =	sld [smem:$0x7F9]  }
0x144: {  	[tilespmem:s10], [sflag:$0x1] =	stream.indirect.gather.add.f32 [spmem:s2], $0x1, s31, s6, $0xb8;
	[tilespmem:$0x12CA8] =	vst v63  }
0x145: {  	s31 =	sld [smem:$0x7FA]  }
0x146: {  	[tilespmem:s7], [sflag:$0x1] =	stream.indirect.gather.add.f32 [spmem:s2], $0x1, s30, s6, $0xb8;
	[tilespmem:$0x12CA8] =	vst v63  }
0x147: {  	s30 =	sld [smem:$0x7FB]  }
0x148: {  	[tilespmem:s8], [sflag:$0x1] =	stream.indirect.gather.add.f32 [spmem:s2], $0x1, s31, s6, $0xb8;
	[tilespmem:$0x12CA8] =	vst v63  }
0x149: {  	s31 =	sld [smem:$0x7FC]  }
0x14a: {  	[tilespmem:s9], [sflag:$0x1] =	stream.indirect.gather.add.f32 [spmem:s2], $0x1, s30, s6, $0xb8;
	[tilespmem:$0x12CA8] =	vst v63  }
0x14b: {  	s30 =	sld [smem:$0x7FD]  }
0x14c: {  	[tilespmem:s10], [sflag:$0x1] =	stream.indirect.gather.add.f32 [spmem:s2], $0x1, s31, s6, $0xb8;
	[tilespmem:$0x12CA8] =	vst v63  }
0x14d: {  	_ = 	snop  }
0x14e: {  	[tilespmem:s7], [sflag:$0x1] =	stream.indirect.gather.add.f32 [spmem:s2], $0x1, s30, s6, $0xb8;
	[tilespmem:$0x12CA8] =	vst v63  }
0x14f: {  	_ = 	snop  }
0x150: {  	[tilespmem:s8], [sflag:$0x1] =	stream.indirect.gather.add.f32 [spmem:s2], $0x1, s11, s6, $0xb8;
	[tilespmem:$0x12CA8] =	vst v63  }
0x151: {  	_ = 	snop  }
0x152: {  	[tilespmem:s9], [sflag:$0x1] =	stream.indirect.gather.add.f32 [spmem:s2], $0x1, s12, s6, $0xb8;
	[tilespmem:$0x12CA8] =	vst v63  }
0x153: {  	_ = 	snop  }
0x154: {  	[tilespmem:s10], [sflag:$0x1] =	stream.indirect.gather.add.f32 [spmem:s2], $0x1, s13, s6, $0xb8;
	[tilespmem:$0x12CA8] =	vst v63  }
0x155: {  	_ = 	snop  }
0x156: {  	[tilespmem:s7], [sflag:$0x1] =	stream.indirect.gather.add.f32 [spmem:s2], $0x1, s14, s6, $0xb8;
	[tilespmem:$0x12CA8] =	vst v63  }
0x157: {  	_ = 	snop  }
0x158: {  	[tilespmem:s8], [sflag:$0x1] =	stream.indirect.gather.add.f32 [spmem:s2], $0x1, s15, s6, $0xb8;
	[tilespmem:$0x12CA8] =	vst v63  }
0x159: {  	_ = 	snop  }
0x15a: {  	[tilespmem:s9], [sflag:$0x1] =	stream.indirect.gather.add.f32 [spmem:s2], $0x1, s16, s6, $0xb8;
	[tilespmem:$0x12CA8] =	vst v63  }
0x15b: {  	_ = 	snop  }
0x15c: {  	[tilespmem:s10], [sflag:$0x1] =	stream.indirect.gather.add.f32 [spmem:s2], $0x1, s17, s6, $0xb8;
	[tilespmem:$0x12CA8] =	vst v63  }
0x15d: {  	_ = 	snop  }
0x15e: {  	[tilespmem:s7], [sflag:$0x1] =	stream.indirect.gather.add.f32 [spmem:s2], $0x1, s18, s6, $0xb8;
	[tilespmem:$0x12CA8] =	vst v63  }
0x15f: {  	_ = 	snop  }
0x160: {  	[tilespmem:s8], [sflag:$0x1] =	stream.indirect.gather.add.f32 [spmem:s2], $0x1, s19, s6, $0xb8;
	[tilespmem:$0x12CA8] =	vst v63  }
0x161: {  	_ = 	snop  }
0x162: {  	[tilespmem:s9], [sflag:$0x1] =	stream.indirect.gather.add.f32 [spmem:s2], $0x1, s20, s6, $0xb8;
	[tilespmem:$0x12CA8] =	vst v63  }
0x163: {  	_ = 	snop  }
0x164: {  	[tilespmem:s10], [sflag:$0x1] =	stream.indirect.gather.add.f32 [spmem:s2], $0x1, s21, s6, $0xb8;
	[tilespmem:$0x12CA8] =	vst v63  }
0x165: {  	_ = 	snop  }
0x166: {  	[tilespmem:s7], [sflag:$0x1] =	stream.indirect.gather.add.f32 [spmem:s2], $0x1, s22, s6, $0xb8;
	[tilespmem:$0x12CA8] =	vst v63  }
0x167: {  	_ = 	snop  }
0x168: {  	[tilespmem:s8], [sflag:$0x1] =	stream.indirect.gather.add.f32 [spmem:s2], $0x1, s23, s6, $0xb8;
	[tilespmem:$0x12CA8] =	vst v63  }
0x169: {  	_ = 	snop  }
0x16a: {  	[tilespmem:s9], [sflag:$0x1] =	stream.indirect.gather.add.f32 [spmem:s2], $0x1, s24, s6, $0xb8;
	[tilespmem:$0x12CA8] =	vst v63  }
0x16b: {  	_ = 	snop  }
0x16c: {  	[tilespmem:s10], [sflag:$0x1] =	stream.indirect.gather.add.f32 [spmem:s2], $0x1, s25, s6, $0xb8;
	[tilespmem:$0x12CA8] =	vst v63  }
0x16d: {  	_ =	swait.ge [sflag:s26], $0x3400  }
0x16e: {  	[sflag:s26] =	ssyncset.done $0x0  }
0x16f: {  	[sflag:s26] =	ssyncadd.s32 $0xFFFFCC00  }
0x170: {  	v1 =	vld [tilespmem:$0x3800]  }
0x171: {  	v2 =	vld [tilespmem:$0x3400]  }
0x172: {  	v3 =	vld [tilespmem:$0x3410]  }
0x173: {  	v4 =	vld [tilespmem:$0x3420]  }
0x174: {  	v5 =	vld [tilespmem:$0x3430]  }
0x175: {  	v6 =	vld [tilespmem:$0x3440]  }
0x176: {  	v7 =	vld [tilespmem:$0x3450];
	v2 =	vadd.f32 v2, v1  }
0x177: {  	v8 =	vld [tilespmem:$0x3460];
	v3 =	vadd.f32 v3, v1  }
0x178: {  	v39 =	vld [tilespmem:$0x3470];
	[tilespmem:$0x3600] =	vst v2;
	v2 =	vadd.f32 v4, v1  }
0x179: {  	v40 =	vld [tilespmem:$0x3480];
	[tilespmem:$0x3610] =	vst v3;
	v3 =	vadd.f32 v5, v1  }
0x17a: {  	v41 =	vld [tilespmem:$0x3490];
	[tilespmem:$0x3620] =	vst v2;
	v2 =	vadd.f32 v6, v1  }
0x17b: {  	v42 =	vld [tilespmem:$0x34A0];
	[tilespmem:$0x3630] =	vst v3;
	v3 =	vadd.f32 v7, v1  }
0x17c: {  	v43 =	vld [tilespmem:$0x34B0];
	[tilespmem:$0x3640] =	vst v2;
	v2 =	vadd.f32 v8, v1  }
0x17d: {  	v44 =	vld [tilespmem:$0x34C0];
	[tilespmem:$0x3650] =	vst v3;
	v3 =	vadd.f32 v39, v1  }
0x17e: {  	v45 =	vld [tilespmem:$0x34D0];
	[tilespmem:$0x3660] =	vst v2;
	v2 =	vadd.f32 v40, v1  }
0x17f: {  	v46 =	vld [tilespmem:$0x34E0];
	[tilespmem:$0x3670] =	vst v3;
	v3 =	vadd.f32 v41, v1  }
0x180: {  	v47 =	vld [tilespmem:$0x34F0];
	[tilespmem:$0x3680] =	vst v2;
	v2 =	vadd.f32 v42, v1  }
0x181: {  	v48 =	vld [tilespmem:$0x3500];
	[tilespmem:$0x3690] =	vst v3;
	v3 =	vadd.f32 v43, v1  }
0x182: {  	v49 =	vld [tilespmem:$0x3510];
	[tilespmem:$0x36A0] =	vst v2;
	v2 =	vadd.f32 v44, v1  }
0x183: {  	v50 =	vld [tilespmem:$0x3520];
	[tilespmem:$0x36B0] =	vst v3;
	v3 =	vadd.f32 v45, v1  }
0x184: {  	v51 =	vld [tilespmem:$0x3530];
	[tilespmem:$0x36C0] =	vst v2;
	v2 =	vadd.f32 v46, v1  }
0x185: {  	v52 =	vld [tilespmem:$0x3540];
	[tilespmem:$0x36D0] =	vst v3;
	v3 =	vadd.f32 v47, v1  }
0x186: {  	v53 =	vld [tilespmem:$0x3550];
	[tilespmem:$0x36E0] =	vst v2;
	v2 =	vadd.f32 v48, v1  }
0x187: {  	v54 =	vld [tilespmem:$0x3560];
	[tilespmem:$0x36F0] =	vst v3;
	v3 =	vadd.f32 v49, v1  }
0x188: {  	v55 =	vld [tilespmem:$0x3570];
	[tilespmem:$0x3700] =	vst v2;
	v2 =	vadd.f32 v50, v1  }
0x189: {  	v56 =	vld [tilespmem:$0x3580];
	[tilespmem:$0x3710] =	vst v3;
	v3 =	vadd.f32 v51, v1  }
0x18a: {  	v57 =	vld [tilespmem:$0x3590];
	[tilespmem:$0x3720] =	vst v2;
	v2 =	vadd.f32 v52, v1  }
0x18b: {  	v58 =	vld [tilespmem:$0x35A0];
	[tilespmem:$0x3730] =	vst v3;
	v3 =	vadd.f32 v53, v1  }
0x18c: {  	v59 =	vld [tilespmem:$0x35B0];
	[tilespmem:$0x3740] =	vst v2;
	v2 =	vadd.f32 v54, v1  }
0x18d: {  	v60 =	vld [tilespmem:$0x35C0];
	[tilespmem:$0x3750] =	vst v3;
	v3 =	vadd.f32 v55, v1  }
0x18e: {  	v61 =	vld [tilespmem:$0x35D0];
	[tilespmem:$0x3760] =	vst v2;
	v2 =	vadd.f32 v56, v1  }
0x18f: {  	v62 =	vld [tilespmem:$0x35E0];
	[tilespmem:$0x3770] =	vst v3;
	v3 =	vadd.f32 v57, v1  }
0x190: {  	v63 =	vld [tilespmem:$0x35F0];
	[tilespmem:$0x3780] =	vst v2;
	v2 =	vadd.f32 v58, v1  }
0x191: {  	[tilespmem:$0x3790] =	vst v3;
	v3 =	vadd.f32 v59, v1  }
0x192: {  	[tilespmem:$0x37A0] =	vst v2;
	v2 =	vadd.f32 v60, v1  }
0x193: {  	[tilespmem:$0x37B0] =	vst v3;
	v3 =	vadd.f32 v61, v1  }
0x194: {  	[tilespmem:$0x37C0] =	vst v2;
	v2 =	vadd.f32 v62, v1  }
0x195: {  	s4 =	sadd.s32 $0xFFFFFFFF, s4;
	[tilespmem:$0x37D0] =	vst v3;
	v1 =	vadd.f32 v63, v1  }
0x196: {  	p1 =	sne.s32 s4, $0x0;
	[tilespmem:$0x37E0] =	vst v2  }
.Ltmp0:
0x197: {  	s31 =	rddreg [dreg:$0xa];
	[tilespmem:$0x37F0] =	vst v1;
	(pc) =	sbr.rel @p1 .LBB2_1-.Ltmp0, $4  }
0x198: {  	[hbm4b:s31+s3] =	stream.linear.scatter [tilespmem:s28], [sflag:$0x3], $0x200, $0x38;
	[tilespmem:$0x12CA8] =	vst v63  }
0x199: {  	_ =	swait.ge [sflag:s29], $0x200  }
0x19a: {  	[sflag:s29] =	ssyncset.done $0x0  }
0x19b: {  	[sflag:s29] =	ssyncadd.s32 $0xFFFFFE00  }
0x19c: {  	_ =	sfence.sel $0x180000  }
0x19d: {  	[bflag:$0x0] =	sbarrier.arrive $0xFFFF  }
0x19e: {  	_ =	strace $0x90000047  }
0x19f: {  	s0 =	stileid.u32;
	[bflag:$0x2] =	sbarrier.arrive $0xFFFF  }
0x1a0: {  	p0 =	sne.s32 s0, $0x0;
	s0 =	rddreg [dreg:$0x5]  }
0x1a1: {  	s0 =	sadd.s32 @!p0 $0x100000, s0  }
0x1a2: {  	[sflag:s0] =	ssyncadd.tile.s32 @!p0 $0x1;
	_ =	shalt  }
.Lfunc_end2:
_tile_overlayer_lowered:
.L_overlay_start_2:
0x1a3: {  	(tag) =	ssettag $0x2  }
0x1a4: {  	s0 =	rddreg [dreg:$0x0];
	s2 =	stileid.u32  }
0x1a5: {  	s1 =	rddreg [dreg:$0x1];
	p0 =	sne.s32 s2, $0x0  }
0x1a6: {  	s3 =	rddreg [dreg:$0x2];
	[bflag:$0x3] =	sbarrier.arrive $0xFFFF;
	s2 =	simm.s32 @!p0 $0x1C03  }
0x1a7: {  	[timem:s3], [sflag:s2] =	dma.local @!p0 [hbm:s0], s1  }
0x1a8: {  	s0 =	simm.s32 @!p0 $0x3  }
0x1a9: {  	_ =	swait.ge @!p0 [sflag:s0], s1  }
0x1aa: {  	s1 =	ssub.s32 @!p0 $0x0, s1;
	[sflag:s0] =	ssyncset.done @!p0 $0x0  }
0x1ab: {  	[sflag:s0] =	ssyncadd.s32 @!p0 s1  }
0x1ac: {  	[bflag:$0x3] =	sbarrier.arrive $0xFFFF  }
0x1ad: {  	_ =	shalt  }

</sc_bundles>
